<compile_context>
chip_gen: v7x
topology: tpu7x:2x2x1
jax: 0.10.2.dev20260603
libtpu: 0.0.44.dev20260713+nightly
codegen_flags: <defaults>
</compile_context>

<pallas_src>
import jax
import jax.numpy as jnp
from jax import lax
from jax.experimental import pallas as pl
from jax.experimental.pallas import tpu as pltpu, tpu_sc as plsc

N_NODES = 100000
IN_CH = 25
OUT_CH = 50
HALF = 16

NC = 2
NS = 16
B = 128
J = 6
G = 261
CHUNK = J * B
E_TILE = CHUNK * G
E_PAD = NS * E_TILE
ROWS_PER_TILE = 6272
N_ACC = NS * ROWS_PER_TILE


ROWS_E = E_TILE // B


def _sc_body(src_hbm, dst_hbm, tab0_hbm, tab1_hbm, out_hbm, eidx_v, rows, acc,
             sem_i, sem_g, sem_s):
    c = lax.axis_index("c")
    s = lax.axis_index("s")

    def zero_row(i, carry):
        rows[i, :] = jnp.zeros((16,), jnp.float32)
        return carry

    lax.fori_loop(0, 2 * CHUNK, zero_row, 0)
    base = s * ROWS_PER_TILE
    for k in range(ROWS_PER_TILE // (2 * CHUNK)):
        pltpu.sync_copy(rows, acc.at[pl.ds(base + k * 2 * CHUNK, 2 * CHUNK)])
    tail = ROWS_PER_TILE % (2 * CHUNK)
    if tail:
        pltpu.sync_copy(rows.at[pl.ds(0, tail)],
                        acc.at[pl.ds(base + ROWS_PER_TILE - tail, tail)])
    plsc.subcore_barrier()

    ebase = s * ROWS_E

    def _drain(semx):
        pltpu.make_async_copy(tab0_hbm.at[pl.ds(0, CHUNK)],
                              rows.at[pl.ds(0, CHUNK)], semx).wait()

    def _drain_idx():
        pltpu.make_async_copy(src_hbm.at[pl.ds(0, J)], eidx_v.at[0, 0],
                              sem_i).wait()
        pltpu.make_async_copy(src_hbm.at[pl.ds(0, J)], eidx_v.at[0, 1],
                              sem_i).wait()

    def _load_idx(g, slot, copy):
        copy(src_hbm.at[pl.ds(ebase + g * J, J)], eidx_v.at[slot, 0])
        copy(dst_hbm.at[pl.ds(ebase + g * J, J)], eidx_v.at[slot, 1])

    def _fire_gathers(slot, roff):
        @pl.when(c == 0)
        def _g0():
            for j in range(J):
                pltpu.async_copy(tab0_hbm.at[eidx_v.at[slot, 0, j]],
                                 rows.at[pl.ds(roff + j * B, B)], sem_g)

        @pl.when(c == 1)
        def _g1():
            for j in range(J):
                pltpu.async_copy(tab1_hbm.at[eidx_v.at[slot, 0, j]],
                                 rows.at[pl.ds(roff + j * B, B)], sem_g)

    _load_idx(0, 0, pltpu.sync_copy)
    _load_idx(1, 1, lambda a, b: pltpu.async_copy(a, b, sem_i))
    _fire_gathers(0, 0)

    def step(g, carry):
        p = g & 1
        roff = p * CHUNK
        i1 = (g + 1) % 3
        i2 = (g + 2) % 3
        ig = g % 3
        _drain_idx()

        @pl.when(g > 0)
        def _w1():
            _drain(sem_s)

        _load_idx(g + 2, i2, lambda a, b: pltpu.async_copy(a, b, sem_i))
        _drain(sem_g)

        @pl.when(g < G - 1)
        def _w2():
            _fire_gathers(i1, CHUNK - roff)

        for j in range(J):
            pltpu.async_copy(rows.at[pl.ds(roff + j * B, B)],
                             acc.at[eidx_v.at[ig, 1, j]], sem_s, add=True)
        return carry

    lax.fori_loop(0, G, step, 0)
    _drain(sem_s)
    _drain_idx()
    plsc.subcore_barrier()

    for k in range(ROWS_PER_TILE // CHUNK):
        pltpu.sync_copy(acc.at[pl.ds(base + k * CHUNK, CHUNK)],
                        out_hbm.at[c, pl.ds(base + k * CHUNK, CHUNK)])
    tail2 = ROWS_PER_TILE % CHUNK
    if tail2:
        pltpu.sync_copy(acc.at[pl.ds(base + ROWS_PER_TILE - tail2, tail2)],
                        out_hbm.at[c, pl.ds(base + ROWS_PER_TILE - tail2,
                                            tail2)])


_sc_agg = pl.kernel(
    _sc_body,
    out_type=jax.ShapeDtypeStruct((NC, N_ACC, HALF), jnp.float32),
    mesh=plsc.VectorSubcoreMesh(core_axis_name="c", subcore_axis_name="s"),
    scratch_types=[
        pltpu.VMEM((3, 2, J, B), jnp.int32),
        pltpu.VMEM((2 * CHUNK, HALF), jnp.float32),
        pltpu.VMEM_SHARED((N_ACC, HALF), jnp.float32),
        pltpu.SemaphoreType.DMA,
        pltpu.SemaphoreType.DMA,
        pltpu.SemaphoreType.DMA,
    ],
    compiler_params=pltpu.CompilerParams(use_tc_tiling_on_sc=False),
)


def _mm_body(a0_ref, a1_ref, w0_ref, w1_ref, b_ref, o_ref):
    acc = jnp.dot(a0_ref[...], w0_ref[...], preferred_element_type=jnp.float32)
    acc = acc + jnp.dot(a1_ref[...], w1_ref[...],
                        preferred_element_type=jnp.float32)
    o_ref[...] = jnp.maximum(acc + b_ref[...], 0.0)


_BM = 1024

_mm = pl.pallas_call(
    _mm_body,
    grid=(N_ACC // _BM,),
    in_specs=[
        pl.BlockSpec((_BM, HALF), lambda i: (i, 0)),
        pl.BlockSpec((_BM, HALF), lambda i: (i, 0)),
        pl.BlockSpec((HALF, OUT_CH), lambda i: (0, 0)),
        pl.BlockSpec((HALF, OUT_CH), lambda i: (0, 0)),
        pl.BlockSpec((1, OUT_CH), lambda i: (0, 0)),
    ],
    out_specs=pl.BlockSpec((_BM, OUT_CH), lambda i: (i, 0)),
    out_shape=jax.ShapeDtypeStruct((N_ACC, OUT_CH), jnp.float32),
)


def kernel(x, edge_index, W, b):
    x = x.astype(jnp.float32)
    src = edge_index[0].astype(jnp.int32)
    dst = edge_index[1].astype(jnp.int32)

    tab0 = x[:, :HALF]
    tab1 = jnp.pad(x[:, HALF:], ((0, 0), (0, 2 * HALF - IN_CH)))

    pad = E_PAD + 2 * CHUNK - src.shape[0]
    src_p = jnp.concatenate([src, jnp.zeros((pad,), jnp.int32)])
    garbage = N_NODES + (jnp.arange(pad, dtype=jnp.int32) % (N_ACC - N_NODES))
    dst_p = jnp.concatenate([dst, garbage])
    src2d = src_p.reshape(-1, B)
    dst2d = dst_p.reshape(-1, B)

    agg = _sc_agg(src2d, dst2d, tab0, tab1)

    w0 = W[:HALF].astype(jnp.float32)
    w1 = jnp.pad(W[HALF:].astype(jnp.float32),
                 ((0, 2 * HALF - IN_CH), (0, 0)))
    out = _mm(agg[0], agg[1], w0, w1, b.reshape(1, OUT_CH).astype(jnp.float32))
    return out[:N_NODES]

# --- scband reference (transcript-rebuilt; emitter-appended) ---
"""Pipeline reference for scband-process-vgae-43722767073853 (READ-ONLY COPY).

The authoritative reference and input builder live on the scoring server;
editing this copy changes nothing except your own understanding.
"""

import jax, jax.numpy as jnp
import numpy as np

N_NODES = 100000
N_EDGES = 3200000
IN_CH = 25
OUT_CH = 50

def setup_inputs(seed: int = 0) -> dict:
    key = jax.random.key(seed)
    k1, k2, k3, k4 = jax.random.split(key, 4)
    x = jax.random.normal(k1, (N_NODES, IN_CH), dtype=jnp.float32)
    edge_index = jax.random.randint(k2, (2, N_EDGES), 0, N_NODES, dtype=jnp.int64)
    # GCNConv linear weight [in, out] and bias [out]
    W = jax.random.normal(k3, (IN_CH, OUT_CH), dtype=jnp.float32) * (1.0 / np.sqrt(IN_CH))
    b = jnp.zeros((OUT_CH,), dtype=jnp.float32)
    return {"x": x, "edge_index": edge_index, "W": W, "b": b}

def reference(x, edge_index, W, b):
    # GCNConv(25, 50, node_dim=0, normalize=False):
    #   h = x @ W  (linear transform)
    #   out[dst] = sum over edges of h[src]  (source_to_target flow, sum aggregation)
    #   out = out + bias
    # followed by ReLU.
    h = x @ W
    src = edge_index[0]
    dst = edge_index[1]
    msgs = jnp.take(h, src, axis=0)
    out = jax.ops.segment_sum(msgs, dst, num_segments=x.shape[0])
    out = out + b
    return jax.nn.relu(out)

if __name__ == "__main__":
    import jax
    _d = setup_inputs()
    print(jax.jit(kernel)(*tuple(_d.values())))

</pallas_src>

<mosaic_0001>
#map = affine_map<(d0, d1) -> (0, 0)>
#map1 = affine_map<(d0, d1) -> (0, 0, 0)>
module attributes {stable_mosaic.version = 14 : i64} {
  func.func @_sc_body(%arg0: i32, %arg1: i32, %arg2: memref<25068x128xi32, #tpu.memory_space<hbm>>, %arg3: memref<25068x128xi32, #tpu.memory_space<hbm>>, %arg4: memref<100000x16xf32, #tpu.memory_space<hbm>>, %arg5: memref<100000x16xf32, #tpu.memory_space<hbm>>, %arg6: memref<2x100352x16xf32, #tpu.memory_space<hbm>>, %arg7: memref<3x2x6x128xi32, #tpu.memory_space<vmem>>, %arg8: memref<1536x16xf32, #tpu.memory_space<vmem>>, %arg9: memref<100352x16xf32, #tpu.memory_space<vmem_shared>>, %arg10: memref<!tpu.dma_semaphore, #tpu.memory_space<semaphore_mem>>, %arg11: memref<!tpu.dma_semaphore, #tpu.memory_space<semaphore_mem>>, %arg12: memref<!tpu.dma_semaphore, #tpu.memory_space<semaphore_mem>>) attributes {dimension_semantics = [#tpu.dimension_semantics<core_parallel>, #tpu.dimension_semantics<subcore_parallel>], iteration_bounds = array<i64: 2, 16>, scalar_prefetch = 0 : i64, scratch_operands = 6 : i64, tpu.core_type = #tpu.core_type<sc_vector_subcore>, window_params = [{transform_indices = #map}, {transform_indices = #map}, {transform_indices = #map}, {transform_indices = #map}, {transform_indices = #map1}]} {
    %scan3A = arith.constant 0 : i32
    %scan3A_0 = arith.constant 0 : i32
    %scan3A_1 = arith.constant 1536 : i32
    %scan3A_2 = arith.addi %scan3A_0, %scan3A_1 : i32
    %scan3A_3 = arith.constant 1 : i32
    scf.for %scan3A_153 = %scan3A_0 to %scan3A_2 step %scan3A_3  : i32 {
      %broadcast_in_dim3A = arith.constant 0.000000e+00 : f32
      %broadcast_in_dim3A_154 = vector.broadcast %broadcast_in_dim3A : f32 to vector<16xf32>
      %swap3A = arith.index_cast %scan3A_153 : i32 to index
      %swap3A_155 = arith.constant 0 : index
      %swap3A_156 = tpu.vector_load %arg8[%swap3A, %swap3A_155] {strides = array<i32>} : memref<1536x16xf32, #tpu.memory_space<vmem>>, vector<1x16xf32>,
      %swap3A_157 = vector.shape_cast %swap3A_156 : vector<1x16xf32> to vector<16xf32>
      %swap3A_158 = vector.shape_cast %broadcast_in_dim3A_154 : vector<16xf32> to vector<1x16xf32>
      tpu.vector_store %arg8[%swap3A, %swap3A_155], %swap3A_158 {strides = array<i32>} : memref<1536x16xf32, #tpu.memory_space<vmem>>, vector<1x16xf32>,
    }
    %scan3A_4 = arith.constant 1536 : i32
    %mul3A = arith.constant 6272 : i32
    %mul3A_5 = arith.muli %arg1, %mul3A : i32
    %add3A = arith.constant 0 : i32
    %add3A_6 = arith.addi %mul3A_5, %add3A : i32
    "tpu.region"() ({
      %run_scoped3A_153 = tpu.sem_alloc : memref<!tpu.dma_semaphore, #tpu.memory_space<semaphore_mem>>
      %dma_start3A_154 = arith.constant 0 : i32
      %dma_start3A_155 = tpu.memref_slice %arg9[%add3A_6, %dma_start3A_154] : memref<100352x16xf32, #tpu.memory_space<vmem_shared>> -> memref<1536x16xf32, #tpu.memory_space<vmem_shared>>
      %dma_start3A_156 = arith.constant 0 : i32
      %dma_start3A_157 = tpu.memref_slice %arg9[%add3A_6, %dma_start3A_156] : memref<100352x16xf32, #tpu.memory_space<vmem_shared>> -> memref<1536x16xf32, #tpu.memory_space<vmem_shared>>
      tpu.enqueue_dma source(%arg8 : memref<1536x16xf32, #tpu.memory_space<vmem>>) target(%dma_start3A_157 : memref<1536x16xf32, #tpu.memory_space<vmem_shared>>) target_semaphore(%run_scoped3A_153 : memref<!tpu.dma_semaphore, #tpu.memory_space<semaphore_mem>>)
      %dma_wait3A_158 = arith.constant 0 : i32
      %dma_wait3A_159 = tpu.memref_slice %arg9[%add3A_6, %dma_wait3A_158] : memref<100352x16xf32, #tpu.memory_space<vmem_shared>> -> memref<1536x16xf32, #tpu.memory_space<vmem_shared>>
      %dma_wait3A_160 = arith.constant 0 : i32
      %dma_wait3A_161 = tpu.memref_slice %arg9[%add3A_6, %dma_wait3A_160] : memref<100352x16xf32, #tpu.memory_space<vmem_shared>> -> memref<1536x16xf32, #tpu.memory_space<vmem_shared>>
      tpu.wait_dma2 semaphore(%run_scoped3A_153 : memref<!tpu.dma_semaphore, #tpu.memory_space<semaphore_mem>>) src(%arg8 : memref<1536x16xf32, #tpu.memory_space<vmem>>) dst(%dma_wait3A_161 : memref<1536x16xf32, #tpu.memory_space<vmem_shared>>)
      tpu.yield
    }) : () -> ()
    %add3A_7 = arith.constant 1536 : i32
    %add3A_8 = arith.addi %mul3A_5, %add3A_7 : i32
    "tpu.region"() ({
      %run_scoped3A_153 = tpu.sem_alloc : memref<!tpu.dma_semaphore, #tpu.memory_space<semaphore_mem>>
      %dma_start3A_154 = arith.constant 0 : i32
      %dma_start3A_155 = tpu.memref_slice %arg9[%add3A_8, %dma_start3A_154] : memref<100352x16xf32, #tpu.memory_space<vmem_shared>> -> memref<1536x16xf32, #tpu.memory_space<vmem_shared>>
      %dma_start3A_156 = arith.constant 0 : i32
      %dma_start3A_157 = tpu.memref_slice %arg9[%add3A_8, %dma_start3A_156] : memref<100352x16xf32, #tpu.memory_space<vmem_shared>> -> memref<1536x16xf32, #tpu.memory_space<vmem_shared>>
      tpu.enqueue_dma source(%arg8 : memref<1536x16xf32, #tpu.memory_space<vmem>>) target(%dma_start3A_157 : memref<1536x16xf32, #tpu.memory_space<vmem_shared>>) target_semaphore(%run_scoped3A_153 : memref<!tpu.dma_semaphore, #tpu.memory_space<semaphore_mem>>)
      %dma_wait3A_158 = arith.constant 0 : i32
      %dma_wait3A_159 = tpu.memref_slice %arg9[%add3A_8, %dma_wait3A_158] : memref<100352x16xf32, #tpu.memory_space<vmem_shared>> -> memref<1536x16xf32, #tpu.memory_space<vmem_shared>>
      %dma_wait3A_160 = arith.constant 0 : i32
      %dma_wait3A_161 = tpu.memref_slice %arg9[%add3A_8, %dma_wait3A_160] : memref<100352x16xf32, #tpu.memory_space<vmem_shared>> -> memref<1536x16xf32, #tpu.memory_space<vmem_shared>>
      tpu.wait_dma2 semaphore(%run_scoped3A_153 : memref<!tpu.dma_semaphore, #tpu.memory_space<semaphore_mem>>) src(%arg8 : memref<1536x16xf32, #tpu.memory_space<vmem>>) dst(%dma_wait3A_161 : memref<1536x16xf32, #tpu.memory_space<vmem_shared>>)
      tpu.yield
    }) : () -> ()
    %add3A_9 = arith.constant 3072 : i32
    %add3A_10 = arith.addi %mul3A_5, %add3A_9 : i32
    "tpu.region"() ({
      %run_scoped3A_153 = tpu.sem_alloc : memref<!tpu.dma_semaphore, #tpu.memory_space<semaphore_mem>>
      %dma_start3A_154 = arith.constant 0 : i32
      %dma_start3A_155 = tpu.memref_slice %arg9[%add3A_10, %dma_start3A_154] : memref<100352x16xf32, #tpu.memory_space<vmem_shared>> -> memref<1536x16xf32, #tpu.memory_space<vmem_shared>>
      %dma_start3A_156 = arith.constant 0 : i32
      %dma_start3A_157 = tpu.memref_slice %arg9[%add3A_10, %dma_start3A_156] : memref<100352x16xf32, #tpu.memory_space<vmem_shared>> -> memref<1536x16xf32, #tpu.memory_space<vmem_shared>>
      tpu.enqueue_dma source(%arg8 : memref<1536x16xf32, #tpu.memory_space<vmem>>) target(%dma_start3A_157 : memref<1536x16xf32, #tpu.memory_space<vmem_shared>>) target_semaphore(%run_scoped3A_153 : memref<!tpu.dma_semaphore, #tpu.memory_space<semaphore_mem>>)
      %dma_wait3A_158 = arith.constant 0 : i32
      %dma_wait3A_159 = tpu.memref_slice %arg9[%add3A_10, %dma_wait3A_158] : memref<100352x16xf32, #tpu.memory_space<vmem_shared>> -> memref<1536x16xf32, #tpu.memory_space<vmem_shared>>
      %dma_wait3A_160 = arith.constant 0 : i32
      %dma_wait3A_161 = tpu.memref_slice %arg9[%add3A_10, %dma_wait3A_160] : memref<100352x16xf32, #tpu.memory_space<vmem_shared>> -> memref<1536x16xf32, #tpu.memory_space<vmem_shared>>
      tpu.wait_dma2 semaphore(%run_scoped3A_153 : memref<!tpu.dma_semaphore, #tpu.memory_space<semaphore_mem>>) src(%arg8 : memref<1536x16xf32, #tpu.memory_space<vmem>>) dst(%dma_wait3A_161 : memref<1536x16xf32, #tpu.memory_space<vmem_shared>>)
      tpu.yield
    }) : () -> ()
    %add3A_11 = arith.constant 4608 : i32
    %add3A_12 = arith.addi %mul3A_5, %add3A_11 : i32
    "tpu.region"() ({
      %run_scoped3A_153 = tpu.sem_alloc : memref<!tpu.dma_semaphore, #tpu.memory_space<semaphore_mem>>
      %dma_start3A_154 = arith.constant 0 : i32
      %dma_start3A_155 = tpu.memref_slice %arg9[%add3A_12, %dma_start3A_154] : memref<100352x16xf32, #tpu.memory_space<vmem_shared>> -> memref<1536x16xf32, #tpu.memory_space<vmem_shared>>
      %dma_start3A_156 = arith.constant 0 : i32
      %dma_start3A_157 = tpu.memref_slice %arg9[%add3A_12, %dma_start3A_156] : memref<100352x16xf32, #tpu.memory_space<vmem_shared>> -> memref<1536x16xf32, #tpu.memory_space<vmem_shared>>
      tpu.enqueue_dma source(%arg8 : memref<1536x16xf32, #tpu.memory_space<vmem>>) target(%dma_start3A_157 : memref<1536x16xf32, #tpu.memory_space<vmem_shared>>) target_semaphore(%run_scoped3A_153 : memref<!tpu.dma_semaphore, #tpu.memory_space<semaphore_mem>>)
      %dma_wait3A_158 = arith.constant 0 : i32
      %dma_wait3A_159 = tpu.memref_slice %arg9[%add3A_12, %dma_wait3A_158] : memref<100352x16xf32, #tpu.memory_space<vmem_shared>> -> memref<1536x16xf32, #tpu.memory_space<vmem_shared>>
      %dma_wait3A_160 = arith.constant 0 : i32
      %dma_wait3A_161 = tpu.memref_slice %arg9[%add3A_12, %dma_wait3A_160] : memref<100352x16xf32, #tpu.memory_space<vmem_shared>> -> memref<1536x16xf32, #tpu.memory_space<vmem_shared>>
      tpu.wait_dma2 semaphore(%run_scoped3A_153 : memref<!tpu.dma_semaphore, #tpu.memory_space<semaphore_mem>>) src(%arg8 : memref<1536x16xf32, #tpu.memory_space<vmem>>) dst(%dma_wait3A_161 : memref<1536x16xf32, #tpu.memory_space<vmem_shared>>)
      tpu.yield
    }) : () -> ()
    %add3A_13 = arith.constant 6272 : i32
    %add3A_14 = arith.addi %mul3A_5, %add3A_13 : i32
    %sub3A = arith.constant 128 : i32
    %sub3A_15 = arith.subi %add3A_14, %sub3A : i32
    "tpu.region"() ({
      %run_scoped3A_153 = tpu.sem_alloc : memref<!tpu.dma_semaphore, #tpu.memory_space<semaphore_mem>>
      %dma_start3A_154 = arith.constant 0 : i32
      %dma_start3A_155 = arith.constant 0 : i32
      %dma_start3A_156 = tpu.memref_slice %arg8[%dma_start3A_154, %dma_start3A_155] : memref<1536x16xf32, #tpu.memory_space<vmem>> -> memref<128x16xf32, #tpu.memory_space<vmem>>
      %dma_start3A_157 = arith.constant 0 : i32
      %dma_start3A_158 = tpu.memref_slice %arg9[%sub3A_15, %dma_start3A_157] : memref<100352x16xf32, #tpu.memory_space<vmem_shared>> -> memref<128x16xf32, #tpu.memory_space<vmem_shared>>
      %dma_start3A_159 = arith.constant 0 : i32
      %dma_start3A_160 = tpu.memref_slice %arg9[%sub3A_15, %dma_start3A_159] : memref<100352x16xf32, #tpu.memory_space<vmem_shared>> -> memref<128x16xf32, #tpu.memory_space<vmem_shared>>
      %dma_start3A_161 = arith.constant 0 : i32
      %dma_start3A_162 = arith.constant 0 : i32
      %dma_start3A_163 = tpu.memref_slice %arg8[%dma_start3A_161, %dma_start3A_162] : memref<1536x16xf32, #tpu.memory_space<vmem>> -> memref<128x16xf32, #tpu.memory_space<vmem>>
      tpu.enqueue_dma source(%dma_start3A_163 : memref<128x16xf32, #tpu.memory_space<vmem>>) target(%dma_start3A_160 : memref<128x16xf32, #tpu.memory_space<vmem_shared>>) target_semaphore(%run_scoped3A_153 : memref<!tpu.dma_semaphore, #tpu.memory_space<semaphore_mem>>)
      %dma_wait3A_164 = arith.constant 0 : i32
      %dma_wait3A_165 = arith.constant 0 : i32
      %dma_wait3A_166 = tpu.memref_slice %arg8[%dma_wait3A_164, %dma_wait3A_165] : memref<1536x16xf32, #tpu.memory_space<vmem>> -> memref<128x16xf32, #tpu.memory_space<vmem>>
      %dma_wait3A_167 = arith.constant 0 : i32
      %dma_wait3A_168 = tpu.memref_slice %arg9[%sub3A_15, %dma_wait3A_167] : memref<100352x16xf32, #tpu.memory_space<vmem_shared>> -> memref<128x16xf32, #tpu.memory_space<vmem_shared>>
      %dma_wait3A_169 = arith.constant 0 : i32
      %dma_wait3A_170 = tpu.memref_slice %arg9[%sub3A_15, %dma_wait3A_169] : memref<100352x16xf32, #tpu.memory_space<vmem_shared>> -> memref<128x16xf32, #tpu.memory_space<vmem_shared>>
      %dma_wait3A_171 = arith.constant 0 : i32
      %dma_wait3A_172 = arith.constant 0 : i32
      %dma_wait3A_173 = tpu.memref_slice %arg8[%dma_wait3A_171, %dma_wait3A_172] : memref<1536x16xf32, #tpu.memory_space<vmem>> -> memref<128x16xf32, #tpu.memory_space<vmem>>
      tpu.wait_dma2 semaphore(%run_scoped3A_153 : memref<!tpu.dma_semaphore, #tpu.memory_space<semaphore_mem>>) src(%dma_wait3A_173 : memref<128x16xf32, #tpu.memory_space<vmem>>) dst(%dma_wait3A_170 : memref<128x16xf32, #tpu.memory_space<vmem_shared>>)
      tpu.yield
    }) : () -> ()
    %barrier3A = arith.constant 0 : index
    tpu.barrier barrier_id(%barrier3A)
    %mul3A_16 = arith.constant 1566 : i32
    %mul3A_17 = arith.muli %arg1, %mul3A_16 : i32
    %add3A_18 = arith.constant 0 : i32
    %add3A_19 = arith.addi %mul3A_17, %add3A_18 : i32
    %run_scoped3A = arith.constant 0 : i32
    %run_scoped3A_20 = arith.constant 0 : i32
    "tpu.region"() ({
      %run_scoped3A_153 = tpu.sem_alloc : memref<!tpu.dma_semaphore, #tpu.memory_space<semaphore_mem>>
      %dma_start3A_154 = arith.constant 0 : i32
      %dma_start3A_155 = arith.constant 0 : i32
      %dma_start3A_156 = tpu.memref_slice %arg7[%run_scoped3A, %run_scoped3A_20, %dma_start3A_154, %dma_start3A_155] : memref<3x2x6x128xi32, #tpu.memory_space<vmem>> -> memref<1x1x6x128xi32, #tpu.memory_space<vmem>>
      %dma_start3A_157 = tpu.memref_squeeze %dma_start3A_156 : memref<1x1x6x128xi32, #tpu.memory_space<vmem>> -> memref<6x128xi32, #tpu.memory_space<vmem>>
      %dma_start3A_158 = arith.constant 0 : i32
      %dma_start3A_159 = tpu.memref_slice %arg2[%add3A_19, %dma_start3A_158] : memref<25068x128xi32, #tpu.memory_space<hbm>> -> memref<6x128xi32, #tpu.memory_space<hbm>>
      %dma_start3A_160 = arith.constant 0 : i32
      %dma_start3A_161 = arith.constant 0 : i32
      %dma_start3A_162 = tpu.memref_slice %arg7[%run_scoped3A, %run_scoped3A_20, %dma_start3A_160, %dma_start3A_161] : memref<3x2x6x128xi32, #tpu.memory_space<vmem>> -> memref<1x1x6x128xi32, #tpu.memory_space<vmem>>
      %dma_start3A_163 = tpu.memref_squeeze %dma_start3A_162 : memref<1x1x6x128xi32, #tpu.memory_space<vmem>> -> memref<6x128xi32, #tpu.memory_space<vmem>>
      %dma_start3A_164 = arith.constant 0 : i32
      %dma_start3A_165 = tpu.memref_slice %arg2[%add3A_19, %dma_start3A_164] : memref<25068x128xi32, #tpu.memory_space<hbm>> -> memref<6x128xi32, #tpu.memory_space<hbm>>
      tpu.enqueue_dma source(%dma_start3A_165 : memref<6x128xi32, #tpu.memory_space<hbm>>) target(%dma_start3A_163 : memref<6x128xi32, #tpu.memory_space<vmem>>) target_semaphore(%run_scoped3A_153 : memref<!tpu.dma_semaphore, #tpu.memory_space<semaphore_mem>>)
      %dma_wait3A_166 = arith.constant 0 : i32
      %dma_wait3A_167 = arith.constant 0 : i32
      %dma_wait3A_168 = tpu.memref_slice %arg7[%run_scoped3A, %run_scoped3A_20, %dma_wait3A_166, %dma_wait3A_167] : memref<3x2x6x128xi32, #tpu.memory_space<vmem>> -> memref<1x1x6x128xi32, #tpu.memory_space<vmem>>
      %dma_wait3A_169 = tpu.memref_squeeze %dma_wait3A_168 : memref<1x1x6x128xi32, #tpu.memory_space<vmem>> -> memref<6x128xi32, #tpu.memory_space<vmem>>
      %dma_wait3A_170 = arith.constant 0 : i32
      %dma_wait3A_171 = tpu.memref_slice %arg2[%add3A_19, %dma_wait3A_170] : memref<25068x128xi32, #tpu.memory_space<hbm>> -> memref<6x128xi32, #tpu.memory_space<hbm>>
      %dma_wait3A_172 = arith.constant 0 : i32
      %dma_wait3A_173 = arith.constant 0 : i32
      %dma_wait3A_174 = tpu.memref_slice %arg7[%run_scoped3A, %run_scoped3A_20, %dma_wait3A_172, %dma_wait3A_173] : memref<3x2x6x128xi32, #tpu.memory_space<vmem>> -> memref<1x1x6x128xi32, #tpu.memory_space<vmem>>
      %dma_wait3A_175 = tpu.memref_squeeze %dma_wait3A_174 : memref<1x1x6x128xi32, #tpu.memory_space<vmem>> -> memref<6x128xi32, #tpu.memory_space<vmem>>
      %dma_wait3A_176 = arith.constant 0 : i32
      %dma_wait3A_177 = tpu.memref_slice %arg2[%add3A_19, %dma_wait3A_176] : memref<25068x128xi32, #tpu.memory_space<hbm>> -> memref<6x128xi32, #tpu.memory_space<hbm>>
      tpu.wait_dma2 semaphore(%run_scoped3A_153 : memref<!tpu.dma_semaphore, #tpu.memory_space<semaphore_mem>>) src(%dma_wait3A_177 : memref<6x128xi32, #tpu.memory_space<hbm>>) dst(%dma_wait3A_175 : memref<6x128xi32, #tpu.memory_space<vmem>>)
      tpu.yield
    }) : () -> ()
    %add3A_21 = arith.constant 0 : i32
    %add3A_22 = arith.addi %mul3A_17, %add3A_21 : i32
    %run_scoped3A_23 = arith.constant 0 : i32
    %run_scoped3A_24 = arith.constant 1 : i32
    "tpu.region"() ({
      %run_scoped3A_153 = tpu.sem_alloc : memref<!tpu.dma_semaphore, #tpu.memory_space<semaphore_mem>>
      %dma_start3A_154 = arith.constant 0 : i32
      %dma_start3A_155 = arith.constant 0 : i32
      %dma_start3A_156 = tpu.memref_slice %arg7[%run_scoped3A_23, %run_scoped3A_24, %dma_start3A_154, %dma_start3A_155] : memref<3x2x6x128xi32, #tpu.memory_space<vmem>> -> memref<1x1x6x128xi32, #tpu.memory_space<vmem>>
      %dma_start3A_157 = tpu.memref_squeeze %dma_start3A_156 : memref<1x1x6x128xi32, #tpu.memory_space<vmem>> -> memref<6x128xi32, #tpu.memory_space<vmem>>
      %dma_start3A_158 = arith.constant 0 : i32
      %dma_start3A_159 = tpu.memref_slice %arg3[%add3A_22, %dma_start3A_158] : memref<25068x128xi32, #tpu.memory_space<hbm>> -> memref<6x128xi32, #tpu.memory_space<hbm>>
      %dma_start3A_160 = arith.constant 0 : i32
      %dma_start3A_161 = arith.constant 0 : i32
      %dma_start3A_162 = tpu.memref_slice %arg7[%run_scoped3A_23, %run_scoped3A_24, %dma_start3A_160, %dma_start3A_161] : memref<3x2x6x128xi32, #tpu.memory_space<vmem>> -> memref<1x1x6x128xi32, #tpu.memory_space<vmem>>
      %dma_start3A_163 = tpu.memref_squeeze %dma_start3A_162 : memref<1x1x6x128xi32, #tpu.memory_space<vmem>> -> memref<6x128xi32, #tpu.memory_space<vmem>>
      %dma_start3A_164 = arith.constant 0 : i32
      %dma_start3A_165 = tpu.memref_slice %arg3[%add3A_22, %dma_start3A_164] : memref<25068x128xi32, #tpu.memory_space<hbm>> -> memref<6x128xi32, #tpu.memory_space<hbm>>
      tpu.enqueue_dma source(%dma_start3A_165 : memref<6x128xi32, #tpu.memory_space<hbm>>) target(%dma_start3A_163 : memref<6x128xi32, #tpu.memory_space<vmem>>) target_semaphore(%run_scoped3A_153 : memref<!tpu.dma_semaphore, #tpu.memory_space<semaphore_mem>>)
      %dma_wait3A_166 = arith.constant 0 : i32
      %dma_wait3A_167 = arith.constant 0 : i32
      %dma_wait3A_168 = tpu.memref_slice %arg7[%run_scoped3A_23, %run_scoped3A_24, %dma_wait3A_166, %dma_wait3A_167] : memref<3x2x6x128xi32, #tpu.memory_space<vmem>> -> memref<1x1x6x128xi32, #tpu.memory_space<vmem>>
      %dma_wait3A_169 = tpu.memref_squeeze %dma_wait3A_168 : memref<1x1x6x128xi32, #tpu.memory_space<vmem>> -> memref<6x128xi32, #tpu.memory_space<vmem>>
      %dma_wait3A_170 = arith.constant 0 : i32
      %dma_wait3A_171 = tpu.memref_slice %arg3[%add3A_22, %dma_wait3A_170] : memref<25068x128xi32, #tpu.memory_space<hbm>> -> memref<6x128xi32, #tpu.memory_space<hbm>>
      %dma_wait3A_172 = arith.constant 0 : i32
      %dma_wait3A_173 = arith.constant 0 : i32
      %dma_wait3A_174 = tpu.memref_slice %arg7[%run_scoped3A_23, %run_scoped3A_24, %dma_wait3A_172, %dma_wait3A_173] : memref<3x2x6x128xi32, #tpu.memory_space<vmem>> -> memref<1x1x6x128xi32, #tpu.memory_space<vmem>>
      %dma_wait3A_175 = tpu.memref_squeeze %dma_wait3A_174 : memref<1x1x6x128xi32, #tpu.memory_space<vmem>> -> memref<6x128xi32, #tpu.memory_space<vmem>>
      %dma_wait3A_176 = arith.constant 0 : i32
      %dma_wait3A_177 = tpu.memref_slice %arg3[%add3A_22, %dma_wait3A_176] : memref<25068x128xi32, #tpu.memory_space<hbm>> -> memref<6x128xi32, #tpu.memory_space<hbm>>
      tpu.wait_dma2 semaphore(%run_scoped3A_153 : memref<!tpu.dma_semaphore, #tpu.memory_space<semaphore_mem>>) src(%dma_wait3A_177 : memref<6x128xi32, #tpu.memory_space<hbm>>) dst(%dma_wait3A_175 : memref<6x128xi32, #tpu.memory_space<vmem>>)
      tpu.yield
    }) : () -> ()
    %add3A_25 = arith.constant 6 : i32
    %add3A_26 = arith.addi %mul3A_17, %add3A_25 : i32
    %dma_start3A = arith.constant 1 : i32
    %dma_start3A_27 = arith.constant 0 : i32
    %dma_start3A_28 = arith.constant 0 : i32
    %dma_start3A_29 = arith.constant 0 : i32
    %dma_start3A_30 = tpu.memref_slice %arg7[%dma_start3A, %dma_start3A_27, %dma_start3A_28, %dma_start3A_29] : memref<3x2x6x128xi32, #tpu.memory_space<vmem>> -> memref<1x1x6x128xi32, #tpu.memory_space<vmem>>
    %dma_start3A_31 = tpu.memref_squeeze %dma_start3A_30 : memref<1x1x6x128xi32, #tpu.memory_space<vmem>> -> memref<6x128xi32, #tpu.memory_space<vmem>>
    %dma_start3A_32 = arith.constant 0 : i32
    %dma_start3A_33 = tpu.memref_slice %arg2[%add3A_26, %dma_start3A_32] : memref<25068x128xi32, #tpu.memory_space<hbm>> -> memref<6x128xi32, #tpu.memory_space<hbm>>
    %dma_start3A_34 = arith.constant 0 : i32
    %dma_start3A_35 = arith.constant 0 : i32
    %dma_start3A_36 = tpu.memref_slice %arg7[%dma_start3A, %dma_start3A_27, %dma_start3A_34, %dma_start3A_35] : memref<3x2x6x128xi32, #tpu.memory_space<vmem>> -> memref<1x1x6x128xi32, #tpu.memory_space<vmem>>
    %dma_start3A_37 = tpu.memref_squeeze %dma_start3A_36 : memref<1x1x6x128xi32, #tpu.memory_space<vmem>> -> memref<6x128xi32, #tpu.memory_space<vmem>>
    %dma_start3A_38 = arith.constant 0 : i32
    %dma_start3A_39 = tpu.memref_slice %arg2[%add3A_26, %dma_start3A_38] : memref<25068x128xi32, #tpu.memory_space<hbm>> -> memref<6x128xi32, #tpu.memory_space<hbm>>
    tpu.enqueue_dma source(%dma_start3A_39 : memref<6x128xi32, #tpu.memory_space<hbm>>) target(%dma_start3A_37 : memref<6x128xi32, #tpu.memory_space<vmem>>) target_semaphore(%arg10 : memref<!tpu.dma_semaphore, #tpu.memory_space<semaphore_mem>>)
    %add3A_40 = arith.constant 6 : i32
    %add3A_41 = arith.addi %mul3A_17, %add3A_40 : i32
    %dma_start3A_42 = arith.constant 1 : i32
    %dma_start3A_43 = arith.constant 1 : i32
    %dma_start3A_44 = arith.constant 0 : i32
    %dma_start3A_45 = arith.constant 0 : i32
    %dma_start3A_46 = tpu.memref_slice %arg7[%dma_start3A_42, %dma_start3A_43, %dma_start3A_44, %dma_start3A_45] : memref<3x2x6x128xi32, #tpu.memory_space<vmem>> -> memref<1x1x6x128xi32, #tpu.memory_space<vmem>>
    %dma_start3A_47 = tpu.memref_squeeze %dma_start3A_46 : memref<1x1x6x128xi32, #tpu.memory_space<vmem>> -> memref<6x128xi32, #tpu.memory_space<vmem>>
    %dma_start3A_48 = arith.constant 0 : i32
    %dma_start3A_49 = tpu.memref_slice %arg3[%add3A_41, %dma_start3A_48] : memref<25068x128xi32, #tpu.memory_space<hbm>> -> memref<6x128xi32, #tpu.memory_space<hbm>>
    %dma_start3A_50 = arith.constant 0 : i32
    %dma_start3A_51 = arith.constant 0 : i32
    %dma_start3A_52 = tpu.memref_slice %arg7[%dma_start3A_42, %dma_start3A_43, %dma_start3A_50, %dma_start3A_51] : memref<3x2x6x128xi32, #tpu.memory_space<vmem>> -> memref<1x1x6x128xi32, #tpu.memory_space<vmem>>
    %dma_start3A_53 = tpu.memref_squeeze %dma_start3A_52 : memref<1x1x6x128xi32, #tpu.memory_space<vmem>> -> memref<6x128xi32, #tpu.memory_space<vmem>>
    %dma_start3A_54 = arith.constant 0 : i32
    %dma_start3A_55 = tpu.memref_slice %arg3[%add3A_41, %dma_start3A_54] : memref<25068x128xi32, #tpu.memory_space<hbm>> -> memref<6x128xi32, #tpu.memory_space<hbm>>
    tpu.enqueue_dma source(%dma_start3A_55 : memref<6x128xi32, #tpu.memory_space<hbm>>) target(%dma_start3A_53 : memref<6x128xi32, #tpu.memory_space<vmem>>) target_semaphore(%arg10 : memref<!tpu.dma_semaphore, #tpu.memory_space<semaphore_mem>>)
    %eq3A = arith.constant 0 : i32
    %eq3A_56 = arith.cmpi eq, %arg0, %eq3A : i32
    %convert_element_type3A = arith.extui %eq3A_56 : i1 to i32
    %cond3A = arith.constant 0 : i32
    %cond3A_57 = arith.cmpi ne, %convert_element_type3A, %cond3A : i32
    scf.if %cond3A_57 {
      %dma_start3A_153 = arith.constant 0 : i32
      %dma_start3A_154 = arith.constant 0 : i32
      %dma_start3A_155 = arith.constant 0 : i32
      %dma_start3A_156 = arith.constant 0 : i32
      %dma_start3A_157 = arith.constant 0 : i32
      %dma_start3A_158 = tpu.memref_slice %arg8[%dma_start3A_156, %dma_start3A_157] : memref<1536x16xf32, #tpu.memory_space<vmem>> -> memref<128x16xf32, #tpu.memory_space<vmem>>
      %dma_start3A_159 = arith.constant 0 : i32
      %dma_start3A_160 = tpu.memref_slice %arg7[%dma_start3A_153, %dma_start3A_154, %dma_start3A_155, %dma_start3A_159] : memref<3x2x6x128xi32, #tpu.memory_space<vmem>> -> memref<1x1x1x128xi32, #tpu.memory_space<vmem>>
      %dma_start3A_161 = tpu.memref_squeeze %dma_start3A_160 : memref<1x1x1x128xi32, #tpu.memory_space<vmem>> -> memref<128xi32, #tpu.memory_space<vmem>>
      %dma_start3A_162 = arith.constant 0 : i32
      %dma_start3A_163 = arith.constant 0 : i32
      %dma_start3A_164 = tpu.memref_slice %arg4[%dma_start3A_162, %dma_start3A_163] : memref<100000x16xf32, #tpu.memory_space<hbm>> -> memref<100000x16xf32, #tpu.memory_space<hbm>>
      tpu.enqueue_indirect_dma source(%dma_start3A_164 : memref<100000x16xf32, #tpu.memory_space<hbm>>) target(%dma_start3A_158 : memref<128x16xf32, #tpu.memory_space<vmem>>) offsets(%dma_start3A_161 : memref<128xi32, #tpu.memory_space<vmem>>) semaphore(%arg11 : memref<!tpu.dma_semaphore, #tpu.memory_space<semaphore_mem>>)
      %dma_start3A_165 = arith.constant 0 : i32
      %dma_start3A_166 = arith.constant 0 : i32
      %dma_start3A_167 = arith.constant 1 : i32
      %dma_start3A_168 = arith.constant 128 : i32
      %dma_start3A_169 = arith.constant 0 : i32
      %dma_start3A_170 = tpu.memref_slice %arg8[%dma_start3A_168, %dma_start3A_169] : memref<1536x16xf32, #tpu.memory_space<vmem>> -> memref<128x16xf32, #tpu.memory_space<vmem>>
      %dma_start3A_171 = arith.constant 0 : i32
      %dma_start3A_172 = tpu.memref_slice %arg7[%dma_start3A_165, %dma_start3A_166, %dma_start3A_167, %dma_start3A_171] : memref<3x2x6x128xi32, #tpu.memory_space<vmem>> -> memref<1x1x1x128xi32, #tpu.memory_space<vmem>>
      %dma_start3A_173 = tpu.memref_squeeze %dma_start3A_172 : memref<1x1x1x128xi32, #tpu.memory_space<vmem>> -> memref<128xi32, #tpu.memory_space<vmem>>
      %dma_start3A_174 = arith.constant 0 : i32
      %dma_start3A_175 = arith.constant 0 : i32
      %dma_start3A_176 = tpu.memref_slice %arg4[%dma_start3A_174, %dma_start3A_175] : memref<100000x16xf32, #tpu.memory_space<hbm>> -> memref<100000x16xf32, #tpu.memory_space<hbm>>
      tpu.enqueue_indirect_dma source(%dma_start3A_176 : memref<100000x16xf32, #tpu.memory_space<hbm>>) target(%dma_start3A_170 : memref<128x16xf32, #tpu.memory_space<vmem>>) offsets(%dma_start3A_173 : memref<128xi32, #tpu.memory_space<vmem>>) semaphore(%arg11 : memref<!tpu.dma_semaphore, #tpu.memory_space<semaphore_mem>>)
      %dma_start3A_177 = arith.constant 0 : i32
      %dma_start3A_178 = arith.constant 0 : i32
      %dma_start3A_179 = arith.constant 2 : i32
      %dma_start3A_180 = arith.constant 256 : i32
      %dma_start3A_181 = arith.constant 0 : i32
      %dma_start3A_182 = tpu.memref_slice %arg8[%dma_start3A_180, %dma_start3A_181] : memref<1536x16xf32, #tpu.memory_space<vmem>> -> memref<128x16xf32, #tpu.memory_space<vmem>>
      %dma_start3A_183 = arith.constant 0 : i32
      %dma_start3A_184 = tpu.memref_slice %arg7[%dma_start3A_177, %dma_start3A_178, %dma_start3A_179, %dma_start3A_183] : memref<3x2x6x128xi32, #tpu.memory_space<vmem>> -> memref<1x1x1x128xi32, #tpu.memory_space<vmem>>
      %dma_start3A_185 = tpu.memref_squeeze %dma_start3A_184 : memref<1x1x1x128xi32, #tpu.memory_space<vmem>> -> memref<128xi32, #tpu.memory_space<vmem>>
      %dma_start3A_186 = arith.constant 0 : i32
      %dma_start3A_187 = arith.constant 0 : i32
      %dma_start3A_188 = tpu.memref_slice %arg4[%dma_start3A_186, %dma_start3A_187] : memref<100000x16xf32, #tpu.memory_space<hbm>> -> memref<100000x16xf32, #tpu.memory_space<hbm>>
      tpu.enqueue_indirect_dma source(%dma_start3A_188 : memref<100000x16xf32, #tpu.memory_space<hbm>>) target(%dma_start3A_182 : memref<128x16xf32, #tpu.memory_space<vmem>>) offsets(%dma_start3A_185 : memref<128xi32, #tpu.memory_space<vmem>>) semaphore(%arg11 : memref<!tpu.dma_semaphore, #tpu.memory_space<semaphore_mem>>)
      %dma_start3A_189 = arith.constant 0 : i32
      %dma_start3A_190 = arith.constant 0 : i32
      %dma_start3A_191 = arith.constant 3 : i32
      %dma_start3A_192 = arith.constant 384 : i32
      %dma_start3A_193 = arith.constant 0 : i32
      %dma_start3A_194 = tpu.memref_slice %arg8[%dma_start3A_192, %dma_start3A_193] : memref<1536x16xf32, #tpu.memory_space<vmem>> -> memref<128x16xf32, #tpu.memory_space<vmem>>
      %dma_start3A_195 = arith.constant 0 : i32
      %dma_start3A_196 = tpu.memref_slice %arg7[%dma_start3A_189, %dma_start3A_190, %dma_start3A_191, %dma_start3A_195] : memref<3x2x6x128xi32, #tpu.memory_space<vmem>> -> memref<1x1x1x128xi32, #tpu.memory_space<vmem>>
      %dma_start3A_197 = tpu.memref_squeeze %dma_start3A_196 : memref<1x1x1x128xi32, #tpu.memory_space<vmem>> -> memref<128xi32, #tpu.memory_space<vmem>>
      %dma_start3A_198 = arith.constant 0 : i32
      %dma_start3A_199 = arith.constant 0 : i32
      %dma_start3A_200 = tpu.memref_slice %arg4[%dma_start3A_198, %dma_start3A_199] : memref<100000x16xf32, #tpu.memory_space<hbm>> -> memref<100000x16xf32, #tpu.memory_space<hbm>>
      tpu.enqueue_indirect_dma source(%dma_start3A_200 : memref<100000x16xf32, #tpu.memory_space<hbm>>) target(%dma_start3A_194 : memref<128x16xf32, #tpu.memory_space<vmem>>) offsets(%dma_start3A_197 : memref<128xi32, #tpu.memory_space<vmem>>) semaphore(%arg11 : memref<!tpu.dma_semaphore, #tpu.memory_space<semaphore_mem>>)
      %dma_start3A_201 = arith.constant 0 : i32
      %dma_start3A_202 = arith.constant 0 : i32
      %dma_start3A_203 = arith.constant 4 : i32
      %dma_start3A_204 = arith.constant 512 : i32
      %dma_start3A_205 = arith.constant 0 : i32
      %dma_start3A_206 = tpu.memref_slice %arg8[%dma_start3A_204, %dma_start3A_205] : memref<1536x16xf32, #tpu.memory_space<vmem>> -> memref<128x16xf32, #tpu.memory_space<vmem>>
      %dma_start3A_207 = arith.constant 0 : i32
      %dma_start3A_208 = tpu.memref_slice %arg7[%dma_start3A_201, %dma_start3A_202, %dma_start3A_203, %dma_start3A_207] : memref<3x2x6x128xi32, #tpu.memory_space<vmem>> -> memref<1x1x1x128xi32, #tpu.memory_space<vmem>>
      %dma_start3A_209 = tpu.memref_squeeze %dma_start3A_208 : memref<1x1x1x128xi32, #tpu.memory_space<vmem>> -> memref<128xi32, #tpu.memory_space<vmem>>
      %dma_start3A_210 = arith.constant 0 : i32
      %dma_start3A_211 = arith.constant 0 : i32
      %dma_start3A_212 = tpu.memref_slice %arg4[%dma_start3A_210, %dma_start3A_211] : memref<100000x16xf32, #tpu.memory_space<hbm>> -> memref<100000x16xf32, #tpu.memory_space<hbm>>
      tpu.enqueue_indirect_dma source(%dma_start3A_212 : memref<100000x16xf32, #tpu.memory_space<hbm>>) target(%dma_start3A_206 : memref<128x16xf32, #tpu.memory_space<vmem>>) offsets(%dma_start3A_209 : memref<128xi32, #tpu.memory_space<vmem>>) semaphore(%arg11 : memref<!tpu.dma_semaphore, #tpu.memory_space<semaphore_mem>>)
      %dma_start3A_213 = arith.constant 0 : i32
      %dma_start3A_214 = arith.constant 0 : i32
      %dma_start3A_215 = arith.constant 5 : i32
      %dma_start3A_216 = arith.constant 640 : i32
      %dma_start3A_217 = arith.constant 0 : i32
      %dma_start3A_218 = tpu.memref_slice %arg8[%dma_start3A_216, %dma_start3A_217] : memref<1536x16xf32, #tpu.memory_space<vmem>> -> memref<128x16xf32, #tpu.memory_space<vmem>>
      %dma_start3A_219 = arith.constant 0 : i32
      %dma_start3A_220 = tpu.memref_slice %arg7[%dma_start3A_213, %dma_start3A_214, %dma_start3A_215, %dma_start3A_219] : memref<3x2x6x128xi32, #tpu.memory_space<vmem>> -> memref<1x1x1x128xi32, #tpu.memory_space<vmem>>
      %dma_start3A_221 = tpu.memref_squeeze %dma_start3A_220 : memref<1x1x1x128xi32, #tpu.memory_space<vmem>> -> memref<128xi32, #tpu.memory_space<vmem>>
      %dma_start3A_222 = arith.constant 0 : i32
      %dma_start3A_223 = arith.constant 0 : i32
      %dma_start3A_224 = tpu.memref_slice %arg4[%dma_start3A_222, %dma_start3A_223] : memref<100000x16xf32, #tpu.memory_space<hbm>> -> memref<100000x16xf32, #tpu.memory_space<hbm>>
      tpu.enqueue_indirect_dma source(%dma_start3A_224 : memref<100000x16xf32, #tpu.memory_space<hbm>>) target(%dma_start3A_218 : memref<128x16xf32, #tpu.memory_space<vmem>>) offsets(%dma_start3A_221 : memref<128xi32, #tpu.memory_space<vmem>>) semaphore(%arg11 : memref<!tpu.dma_semaphore, #tpu.memory_space<semaphore_mem>>)
    } else {
    }
    %eq3A_58 = arith.constant 1 : i32
    %eq3A_59 = arith.cmpi eq, %arg0, %eq3A_58 : i32
    %convert_element_type3A_60 = arith.extui %eq3A_59 : i1 to i32
    %cond3A_61 = arith.constant 0 : i32
    %cond3A_62 = arith.cmpi ne, %convert_element_type3A_60, %cond3A_61 : i32
    scf.if %cond3A_62 {
      %dma_start3A_153 = arith.constant 0 : i32
      %dma_start3A_154 = arith.constant 0 : i32
      %dma_start3A_155 = arith.constant 0 : i32
      %dma_start3A_156 = arith.constant 0 : i32
      %dma_start3A_157 = arith.constant 0 : i32
      %dma_start3A_158 = tpu.memref_slice %arg8[%dma_start3A_156, %dma_start3A_157] : memref<1536x16xf32, #tpu.memory_space<vmem>> -> memref<128x16xf32, #tpu.memory_space<vmem>>
      %dma_start3A_159 = arith.constant 0 : i32
      %dma_start3A_160 = tpu.memref_slice %arg7[%dma_start3A_153, %dma_start3A_154, %dma_start3A_155, %dma_start3A_159] : memref<3x2x6x128xi32, #tpu.memory_space<vmem>> -> memref<1x1x1x128xi32, #tpu.memory_space<vmem>>
      %dma_start3A_161 = tpu.memref_squeeze %dma_start3A_160 : memref<1x1x1x128xi32, #tpu.memory_space<vmem>> -> memref<128xi32, #tpu.memory_space<vmem>>
      %dma_start3A_162 = arith.constant 0 : i32
      %dma_start3A_163 = arith.constant 0 : i32
      %dma_start3A_164 = tpu.memref_slice %arg5[%dma_start3A_162, %dma_start3A_163] : memref<100000x16xf32, #tpu.memory_space<hbm>> -> memref<100000x16xf32, #tpu.memory_space<hbm>>
      tpu.enqueue_indirect_dma source(%dma_start3A_164 : memref<100000x16xf32, #tpu.memory_space<hbm>>) target(%dma_start3A_158 : memref<128x16xf32, #tpu.memory_space<vmem>>) offsets(%dma_start3A_161 : memref<128xi32, #tpu.memory_space<vmem>>) semaphore(%arg11 : memref<!tpu.dma_semaphore, #tpu.memory_space<semaphore_mem>>)
      %dma_start3A_165 = arith.constant 0 : i32
      %dma_start3A_166 = arith.constant 0 : i32
      %dma_start3A_167 = arith.constant 1 : i32
      %dma_start3A_168 = arith.constant 128 : i32
      %dma_start3A_169 = arith.constant 0 : i32
      %dma_start3A_170 = tpu.memref_slice %arg8[%dma_start3A_168, %dma_start3A_169] : memref<1536x16xf32, #tpu.memory_space<vmem>> -> memref<128x16xf32, #tpu.memory_space<vmem>>
      %dma_start3A_171 = arith.constant 0 : i32
      %dma_start3A_172 = tpu.memref_slice %arg7[%dma_start3A_165, %dma_start3A_166, %dma_start3A_167, %dma_start3A_171] : memref<3x2x6x128xi32, #tpu.memory_space<vmem>> -> memref<1x1x1x128xi32, #tpu.memory_space<vmem>>
      %dma_start3A_173 = tpu.memref_squeeze %dma_start3A_172 : memref<1x1x1x128xi32, #tpu.memory_space<vmem>> -> memref<128xi32, #tpu.memory_space<vmem>>
      %dma_start3A_174 = arith.constant 0 : i32
      %dma_start3A_175 = arith.constant 0 : i32
      %dma_start3A_176 = tpu.memref_slice %arg5[%dma_start3A_174, %dma_start3A_175] : memref<100000x16xf32, #tpu.memory_space<hbm>> -> memref<100000x16xf32, #tpu.memory_space<hbm>>
      tpu.enqueue_indirect_dma source(%dma_start3A_176 : memref<100000x16xf32, #tpu.memory_space<hbm>>) target(%dma_start3A_170 : memref<128x16xf32, #tpu.memory_space<vmem>>) offsets(%dma_start3A_173 : memref<128xi32, #tpu.memory_space<vmem>>) semaphore(%arg11 : memref<!tpu.dma_semaphore, #tpu.memory_space<semaphore_mem>>)
      %dma_start3A_177 = arith.constant 0 : i32
      %dma_start3A_178 = arith.constant 0 : i32
      %dma_start3A_179 = arith.constant 2 : i32
      %dma_start3A_180 = arith.constant 256 : i32
      %dma_start3A_181 = arith.constant 0 : i32
      %dma_start3A_182 = tpu.memref_slice %arg8[%dma_start3A_180, %dma_start3A_181] : memref<1536x16xf32, #tpu.memory_space<vmem>> -> memref<128x16xf32, #tpu.memory_space<vmem>>
      %dma_start3A_183 = arith.constant 0 : i32
      %dma_start3A_184 = tpu.memref_slice %arg7[%dma_start3A_177, %dma_start3A_178, %dma_start3A_179, %dma_start3A_183] : memref<3x2x6x128xi32, #tpu.memory_space<vmem>> -> memref<1x1x1x128xi32, #tpu.memory_space<vmem>>
      %dma_start3A_185 = tpu.memref_squeeze %dma_start3A_184 : memref<1x1x1x128xi32, #tpu.memory_space<vmem>> -> memref<128xi32, #tpu.memory_space<vmem>>
      %dma_start3A_186 = arith.constant 0 : i32
      %dma_start3A_187 = arith.constant 0 : i32
      %dma_start3A_188 = tpu.memref_slice %arg5[%dma_start3A_186, %dma_start3A_187] : memref<100000x16xf32, #tpu.memory_space<hbm>> -> memref<100000x16xf32, #tpu.memory_space<hbm>>
      tpu.enqueue_indirect_dma source(%dma_start3A_188 : memref<100000x16xf32, #tpu.memory_space<hbm>>) target(%dma_start3A_182 : memref<128x16xf32, #tpu.memory_space<vmem>>) offsets(%dma_start3A_185 : memref<128xi32, #tpu.memory_space<vmem>>) semaphore(%arg11 : memref<!tpu.dma_semaphore, #tpu.memory_space<semaphore_mem>>)
      %dma_start3A_189 = arith.constant 0 : i32
      %dma_start3A_190 = arith.constant 0 : i32
      %dma_start3A_191 = arith.constant 3 : i32
      %dma_start3A_192 = arith.constant 384 : i32
      %dma_start3A_193 = arith.constant 0 : i32
      %dma_start3A_194 = tpu.memref_slice %arg8[%dma_start3A_192, %dma_start3A_193] : memref<1536x16xf32, #tpu.memory_space<vmem>> -> memref<128x16xf32, #tpu.memory_space<vmem>>
      %dma_start3A_195 = arith.constant 0 : i32
      %dma_start3A_196 = tpu.memref_slice %arg7[%dma_start3A_189, %dma_start3A_190, %dma_start3A_191, %dma_start3A_195] : memref<3x2x6x128xi32, #tpu.memory_space<vmem>> -> memref<1x1x1x128xi32, #tpu.memory_space<vmem>>
      %dma_start3A_197 = tpu.memref_squeeze %dma_start3A_196 : memref<1x1x1x128xi32, #tpu.memory_space<vmem>> -> memref<128xi32, #tpu.memory_space<vmem>>
      %dma_start3A_198 = arith.constant 0 : i32
      %dma_start3A_199 = arith.constant 0 : i32
      %dma_start3A_200 = tpu.memref_slice %arg5[%dma_start3A_198, %dma_start3A_199] : memref<100000x16xf32, #tpu.memory_space<hbm>> -> memref<100000x16xf32, #tpu.memory_space<hbm>>
      tpu.enqueue_indirect_dma source(%dma_start3A_200 : memref<100000x16xf32, #tpu.memory_space<hbm>>) target(%dma_start3A_194 : memref<128x16xf32, #tpu.memory_space<vmem>>) offsets(%dma_start3A_197 : memref<128xi32, #tpu.memory_space<vmem>>) semaphore(%arg11 : memref<!tpu.dma_semaphore, #tpu.memory_space<semaphore_mem>>)
      %dma_start3A_201 = arith.constant 0 : i32
      %dma_start3A_202 = arith.constant 0 : i32
      %dma_start3A_203 = arith.constant 4 : i32
      %dma_start3A_204 = arith.constant 512 : i32
      %dma_start3A_205 = arith.constant 0 : i32
      %dma_start3A_206 = tpu.memref_slice %arg8[%dma_start3A_204, %dma_start3A_205] : memref<1536x16xf32, #tpu.memory_space<vmem>> -> memref<128x16xf32, #tpu.memory_space<vmem>>
      %dma_start3A_207 = arith.constant 0 : i32
      %dma_start3A_208 = tpu.memref_slice %arg7[%dma_start3A_201, %dma_start3A_202, %dma_start3A_203, %dma_start3A_207] : memref<3x2x6x128xi32, #tpu.memory_space<vmem>> -> memref<1x1x1x128xi32, #tpu.memory_space<vmem>>
      %dma_start3A_209 = tpu.memref_squeeze %dma_start3A_208 : memref<1x1x1x128xi32, #tpu.memory_space<vmem>> -> memref<128xi32, #tpu.memory_space<vmem>>
      %dma_start3A_210 = arith.constant 0 : i32
      %dma_start3A_211 = arith.constant 0 : i32
      %dma_start3A_212 = tpu.memref_slice %arg5[%dma_start3A_210, %dma_start3A_211] : memref<100000x16xf32, #tpu.memory_space<hbm>> -> memref<100000x16xf32, #tpu.memory_space<hbm>>
      tpu.enqueue_indirect_dma source(%dma_start3A_212 : memref<100000x16xf32, #tpu.memory_space<hbm>>) target(%dma_start3A_206 : memref<128x16xf32, #tpu.memory_space<vmem>>) offsets(%dma_start3A_209 : memref<128xi32, #tpu.memory_space<vmem>>) semaphore(%arg11 : memref<!tpu.dma_semaphore, #tpu.memory_space<semaphore_mem>>)
      %dma_start3A_213 = arith.constant 0 : i32
      %dma_start3A_214 = arith.constant 0 : i32
      %dma_start3A_215 = arith.constant 5 : i32
      %dma_start3A_216 = arith.constant 640 : i32
      %dma_start3A_217 = arith.constant 0 : i32
      %dma_start3A_218 = tpu.memref_slice %arg8[%dma_start3A_216, %dma_start3A_217] : memref<1536x16xf32, #tpu.memory_space<vmem>> -> memref<128x16xf32, #tpu.memory_space<vmem>>
      %dma_start3A_219 = arith.constant 0 : i32
      %dma_start3A_220 = tpu.memref_slice %arg7[%dma_start3A_213, %dma_start3A_214, %dma_start3A_215, %dma_start3A_219] : memref<3x2x6x128xi32, #tpu.memory_space<vmem>> -> memref<1x1x1x128xi32, #tpu.memory_space<vmem>>
      %dma_start3A_221 = tpu.memref_squeeze %dma_start3A_220 : memref<1x1x1x128xi32, #tpu.memory_space<vmem>> -> memref<128xi32, #tpu.memory_space<vmem>>
      %dma_start3A_222 = arith.constant 0 : i32
      %dma_start3A_223 = arith.constant 0 : i32
      %dma_start3A_224 = tpu.memref_slice %arg5[%dma_start3A_222, %dma_start3A_223] : memref<100000x16xf32, #tpu.memory_space<hbm>> -> memref<100000x16xf32, #tpu.memory_space<hbm>>
      tpu.enqueue_indirect_dma source(%dma_start3A_224 : memref<100000x16xf32, #tpu.memory_space<hbm>>) target(%dma_start3A_218 : memref<128x16xf32, #tpu.memory_space<vmem>>) offsets(%dma_start3A_221 : memref<128xi32, #tpu.memory_space<vmem>>) semaphore(%arg11 : memref<!tpu.dma_semaphore, #tpu.memory_space<semaphore_mem>>)
    } else {
    }
    %scan3A_63 = arith.constant 0 : i32
    %scan3A_64 = arith.constant 0 : i32
    %scan3A_65 = arith.constant 261 : i32
    %scan3A_66 = arith.addi %scan3A_64, %scan3A_65 : i32
    %scan3A_67 = arith.constant 1 : i32
    scf.for %scan3A_153 = %scan3A_64 to %scan3A_66 step %scan3A_67  : i32 {
      %and3A = arith.constant 1 : i32
      %and3A_154 = arith.andi %scan3A_153, %and3A : i32
      %mul3A_155 = arith.constant 768 : i32
      %mul3A_156 = arith.muli %and3A_154, %mul3A_155 : i32
      %add3A_157 = arith.constant 1 : i32
      %add3A_158 = arith.addi %scan3A_153, %add3A_157 : i32
      %jit3A = arith.constant 3 : i32
      %eq3A_159 = arith.constant 0 : i32
      %eq3A_160 = arith.cmpi eq, %jit3A, %eq3A_159 : i32
      %jit3A_161 = arith.constant 1 : i32
      %select_n3A = arith.select %eq3A_160, %jit3A_161, %jit3A : i32
      %rem3A = arith.remsi %add3A_158, %select_n3A : i32
      %ne3A = arith.constant 0 : i32
      %ne3A_162 = arith.cmpi ne, %rem3A, %ne3A : i32
      %lt3A = arith.constant 0 : i32
      %lt3A_163 = arith.cmpi slt, %rem3A, %lt3A : i32
      %lt3A_164 = arith.constant 0 : i32
      %lt3A_165 = arith.cmpi slt, %select_n3A, %lt3A_164 : i32
      %ne3A_166 = arith.xori %lt3A_163, %lt3A_165 : i1
      %and3A_167 = arith.andi %ne3A_166, %ne3A_162 : i1
      %add3A_168 = arith.addi %rem3A, %select_n3A : i32
      %select_n3A_169 = arith.select %and3A_167, %add3A_168, %rem3A : i32
      %add3A_170 = arith.constant 2 : i32
      %add3A_171 = arith.addi %scan3A_153, %add3A_170 : i32
      %jit3A_172 = arith.constant 3 : i32
      %eq3A_173 = arith.constant 0 : i32
      %eq3A_174 = arith.cmpi eq, %jit3A_172, %eq3A_173 : i32
      %jit3A_175 = arith.constant 1 : i32
      %select_n3A_176 = arith.select %eq3A_174, %jit3A_175, %jit3A_172 : i32
      %rem3A_177 = arith.remsi %add3A_171, %select_n3A_176 : i32
      %ne3A_178 = arith.constant 0 : i32
      %ne3A_179 = arith.cmpi ne, %rem3A_177, %ne3A_178 : i32
      %lt3A_180 = arith.constant 0 : i32
      %lt3A_181 = arith.cmpi slt, %rem3A_177, %lt3A_180 : i32
      %lt3A_182 = arith.constant 0 : i32
      %lt3A_183 = arith.cmpi slt, %select_n3A_176, %lt3A_182 : i32
      %ne3A_184 = arith.xori %lt3A_181, %lt3A_183 : i1
      %and3A_185 = arith.andi %ne3A_184, %ne3A_179 : i1
      %add3A_186 = arith.addi %rem3A_177, %select_n3A_176 : i32
      %select_n3A_187 = arith.select %and3A_185, %add3A_186, %rem3A_177 : i32
      %jit3A_188 = arith.constant 3 : i32
      %eq3A_189 = arith.constant 0 : i32
      %eq3A_190 = arith.cmpi eq, %jit3A_188, %eq3A_189 : i32
      %jit3A_191 = arith.constant 1 : i32
      %select_n3A_192 = arith.select %eq3A_190, %jit3A_191, %jit3A_188 : i32
      %rem3A_193 = arith.remsi %scan3A_153, %select_n3A_192 : i32
      %ne3A_194 = arith.constant 0 : i32
      %ne3A_195 = arith.cmpi ne, %rem3A_193, %ne3A_194 : i32
      %lt3A_196 = arith.constant 0 : i32
      %lt3A_197 = arith.cmpi slt, %rem3A_193, %lt3A_196 : i32
      %lt3A_198 = arith.constant 0 : i32
      %lt3A_199 = arith.cmpi slt, %select_n3A_192, %lt3A_198 : i32
      %ne3A_200 = arith.xori %lt3A_197, %lt3A_199 : i1
      %and3A_201 = arith.andi %ne3A_200, %ne3A_195 : i1
      %add3A_202 = arith.addi %rem3A_193, %select_n3A_192 : i32
      %select_n3A_203 = arith.select %and3A_201, %add3A_202, %rem3A_193 : i32
      %dma_wait3A_204 = arith.constant 0 : i32
      %dma_wait3A_205 = arith.constant 0 : i32
      %dma_wait3A_206 = arith.constant 0 : i32
      %dma_wait3A_207 = arith.constant 0 : i32
      %dma_wait3A_208 = tpu.memref_slice %arg7[%dma_wait3A_204, %dma_wait3A_205, %dma_wait3A_206, %dma_wait3A_207] : memref<3x2x6x128xi32, #tpu.memory_space<vmem>> -> memref<1x1x6x128xi32, #tpu.memory_space<vmem>>
      %dma_wait3A_209 = tpu.memref_squeeze %dma_wait3A_208 : memref<1x1x6x128xi32, #tpu.memory_space<vmem>> -> memref<6x128xi32, #tpu.memory_space<vmem>>
      %dma_wait3A_210 = arith.constant 0 : i32
      %dma_wait3A_211 = arith.constant 0 : i32
      %dma_wait3A_212 = tpu.memref_slice %arg2[%dma_wait3A_210, %dma_wait3A_211] : memref<25068x128xi32, #tpu.memory_space<hbm>> -> memref<6x128xi32, #tpu.memory_space<hbm>>
      %dma_wait3A_213 = arith.constant 0 : i32
      %dma_wait3A_214 = arith.constant 0 : i32
      %dma_wait3A_215 = tpu.memref_slice %arg7[%dma_wait3A_204, %dma_wait3A_205, %dma_wait3A_213, %dma_wait3A_214] : memref<3x2x6x128xi32, #tpu.memory_space<vmem>> -> memref<1x1x6x128xi32, #tpu.memory_space<vmem>>
      %dma_wait3A_216 = tpu.memref_squeeze %dma_wait3A_215 : memref<1x1x6x128xi32, #tpu.memory_space<vmem>> -> memref<6x128xi32, #tpu.memory_space<vmem>>
      %dma_wait3A_217 = arith.constant 0 : i32
      %dma_wait3A_218 = arith.constant 0 : i32
      %dma_wait3A_219 = tpu.memref_slice %arg2[%dma_wait3A_217, %dma_wait3A_218] : memref<25068x128xi32, #tpu.memory_space<hbm>> -> memref<6x128xi32, #tpu.memory_space<hbm>>
      tpu.wait_dma2 semaphore(%arg10 : memref<!tpu.dma_semaphore, #tpu.memory_space<semaphore_mem>>) src(%dma_wait3A_219 : memref<6x128xi32, #tpu.memory_space<hbm>>) dst(%dma_wait3A_216 : memref<6x128xi32, #tpu.memory_space<vmem>>)
      %dma_wait3A_220 = arith.constant 0 : i32
      %dma_wait3A_221 = arith.constant 1 : i32
      %dma_wait3A_222 = arith.constant 0 : i32
      %dma_wait3A_223 = arith.constant 0 : i32
      %dma_wait3A_224 = tpu.memref_slice %arg7[%dma_wait3A_220, %dma_wait3A_221, %dma_wait3A_222, %dma_wait3A_223] : memref<3x2x6x128xi32, #tpu.memory_space<vmem>> -> memref<1x1x6x128xi32, #tpu.memory_space<vmem>>
      %dma_wait3A_225 = tpu.memref_squeeze %dma_wait3A_224 : memref<1x1x6x128xi32, #tpu.memory_space<vmem>> -> memref<6x128xi32, #tpu.memory_space<vmem>>
      %dma_wait3A_226 = arith.constant 0 : i32
      %dma_wait3A_227 = arith.constant 0 : i32
      %dma_wait3A_228 = tpu.memref_slice %arg2[%dma_wait3A_226, %dma_wait3A_227] : memref<25068x128xi32, #tpu.memory_space<hbm>> -> memref<6x128xi32, #tpu.memory_space<hbm>>
      %dma_wait3A_229 = arith.constant 0 : i32
      %dma_wait3A_230 = arith.constant 0 : i32
      %dma_wait3A_231 = tpu.memref_slice %arg7[%dma_wait3A_220, %dma_wait3A_221, %dma_wait3A_229, %dma_wait3A_230] : memref<3x2x6x128xi32, #tpu.memory_space<vmem>> -> memref<1x1x6x128xi32, #tpu.memory_space<vmem>>
      %dma_wait3A_232 = tpu.memref_squeeze %dma_wait3A_231 : memref<1x1x6x128xi32, #tpu.memory_space<vmem>> -> memref<6x128xi32, #tpu.memory_space<vmem>>
      %dma_wait3A_233 = arith.constant 0 : i32
      %dma_wait3A_234 = arith.constant 0 : i32
      %dma_wait3A_235 = tpu.memref_slice %arg2[%dma_wait3A_233, %dma_wait3A_234] : memref<25068x128xi32, #tpu.memory_space<hbm>> -> memref<6x128xi32, #tpu.memory_space<hbm>>
      tpu.wait_dma2 semaphore(%arg10 : memref<!tpu.dma_semaphore, #tpu.memory_space<semaphore_mem>>) src(%dma_wait3A_235 : memref<6x128xi32, #tpu.memory_space<hbm>>) dst(%dma_wait3A_232 : memref<6x128xi32, #tpu.memory_space<vmem>>)
      %gt3A = arith.constant 0 : i32
      %gt3A_236 = arith.cmpi sgt, %scan3A_153, %gt3A : i32
      %convert_element_type3A_237 = arith.extui %gt3A_236 : i1 to i32
      %cond3A_238 = arith.constant 0 : i32
      %cond3A_239 = arith.cmpi ne, %convert_element_type3A_237, %cond3A_238 : i32
      scf.if %cond3A_239 {
        %dma_wait3A_363 = arith.constant 0 : i32
        %dma_wait3A_364 = arith.constant 0 : i32
        %dma_wait3A_365 = tpu.memref_slice %arg8[%dma_wait3A_363, %dma_wait3A_364] : memref<1536x16xf32, #tpu.memory_space<vmem>> -> memref<768x16xf32, #tpu.memory_space<vmem>>
        %dma_wait3A_366 = arith.constant 0 : i32
        %dma_wait3A_367 = arith.constant 0 : i32
        %dma_wait3A_368 = tpu.memref_slice %arg4[%dma_wait3A_366, %dma_wait3A_367] : memref<100000x16xf32, #tpu.memory_space<hbm>> -> memref<768x16xf32, #tpu.memory_space<hbm>>
        %dma_wait3A_369 = arith.constant 0 : i32
        %dma_wait3A_370 = arith.constant 0 : i32
        %dma_wait3A_371 = tpu.memref_slice %arg8[%dma_wait3A_369, %dma_wait3A_370] : memref<1536x16xf32, #tpu.memory_space<vmem>> -> memref<768x16xf32, #tpu.memory_space<vmem>>
        %dma_wait3A_372 = arith.constant 0 : i32
        %dma_wait3A_373 = arith.constant 0 : i32
        %dma_wait3A_374 = tpu.memref_slice %arg4[%dma_wait3A_372, %dma_wait3A_373] : memref<100000x16xf32, #tpu.memory_space<hbm>> -> memref<768x16xf32, #tpu.memory_space<hbm>>
        tpu.wait_dma2 semaphore(%arg12 : memref<!tpu.dma_semaphore, #tpu.memory_space<semaphore_mem>>) src(%dma_wait3A_374 : memref<768x16xf32, #tpu.memory_space<hbm>>) dst(%dma_wait3A_371 : memref<768x16xf32, #tpu.memory_space<vmem>>)
      } else {
      }
      %add3A_240 = arith.constant 2 : i32
      %add3A_241 = arith.addi %scan3A_153, %add3A_240 : i32
      %mul3A_242 = arith.constant 6 : i32
      %mul3A_243 = arith.muli %add3A_241, %mul3A_242 : i32
      %add3A_244 = arith.addi %mul3A_17, %mul3A_243 : i32
      %dma_start3A_245 = arith.constant 0 : i32
      %dma_start3A_246 = arith.constant 0 : i32
      %dma_start3A_247 = arith.constant 0 : i32
      %dma_start3A_248 = tpu.memref_slice %arg7[%select_n3A_187, %dma_start3A_245, %dma_start3A_246, %dma_start3A_247] : memref<3x2x6x128xi32, #tpu.memory_space<vmem>> -> memref<1x1x6x128xi32, #tpu.memory_space<vmem>>
      %dma_start3A_249 = tpu.memref_squeeze %dma_start3A_248 : memref<1x1x6x128xi32, #tpu.memory_space<vmem>> -> memref<6x128xi32, #tpu.memory_space<vmem>>
      %dma_start3A_250 = arith.constant 0 : i32
      %dma_start3A_251 = tpu.memref_slice %arg2[%add3A_244, %dma_start3A_250] : memref<25068x128xi32, #tpu.memory_space<hbm>> -> memref<6x128xi32, #tpu.memory_space<hbm>>
      %dma_start3A_252 = arith.constant 0 : i32
      %dma_start3A_253 = arith.constant 0 : i32
      %dma_start3A_254 = tpu.memref_slice %arg7[%select_n3A_187, %dma_start3A_245, %dma_start3A_252, %dma_start3A_253] : memref<3x2x6x128xi32, #tpu.memory_space<vmem>> -> memref<1x1x6x128xi32, #tpu.memory_space<vmem>>
      %dma_start3A_255 = tpu.memref_squeeze %dma_start3A_254 : memref<1x1x6x128xi32, #tpu.memory_space<vmem>> -> memref<6x128xi32, #tpu.memory_space<vmem>>
      %dma_start3A_256 = arith.constant 0 : i32
      %dma_start3A_257 = tpu.memref_slice %arg2[%add3A_244, %dma_start3A_256] : memref<25068x128xi32, #tpu.memory_space<hbm>> -> memref<6x128xi32, #tpu.memory_space<hbm>>
      tpu.enqueue_dma source(%dma_start3A_257 : memref<6x128xi32, #tpu.memory_space<hbm>>) target(%dma_start3A_255 : memref<6x128xi32, #tpu.memory_space<vmem>>) target_semaphore(%arg10 : memref<!tpu.dma_semaphore, #tpu.memory_space<semaphore_mem>>)
      %mul3A_258 = arith.constant 6 : i32
      %mul3A_259 = arith.muli %add3A_241, %mul3A_258 : i32
      %add3A_260 = arith.addi %mul3A_17, %mul3A_259 : i32
      %dma_start3A_261 = arith.constant 1 : i32
      %dma_start3A_262 = arith.constant 0 : i32
      %dma_start3A_263 = arith.constant 0 : i32
      %dma_start3A_264 = tpu.memref_slice %arg7[%select_n3A_187, %dma_start3A_261, %dma_start3A_262, %dma_start3A_263] : memref<3x2x6x128xi32, #tpu.memory_space<vmem>> -> memref<1x1x6x128xi32, #tpu.memory_space<vmem>>
      %dma_start3A_265 = tpu.memref_squeeze %dma_start3A_264 : memref<1x1x6x128xi32, #tpu.memory_space<vmem>> -> memref<6x128xi32, #tpu.memory_space<vmem>>
      %dma_start3A_266 = arith.constant 0 : i32
      %dma_start3A_267 = tpu.memref_slice %arg3[%add3A_260, %dma_start3A_266] : memref<25068x128xi32, #tpu.memory_space<hbm>> -> memref<6x128xi32, #tpu.memory_space<hbm>>
      %dma_start3A_268 = arith.constant 0 : i32
      %dma_start3A_269 = arith.constant 0 : i32
      %dma_start3A_270 = tpu.memref_slice %arg7[%select_n3A_187, %dma_start3A_261, %dma_start3A_268, %dma_start3A_269] : memref<3x2x6x128xi32, #tpu.memory_space<vmem>> -> memref<1x1x6x128xi32, #tpu.memory_space<vmem>>
      %dma_start3A_271 = tpu.memref_squeeze %dma_start3A_270 : memref<1x1x6x128xi32, #tpu.memory_space<vmem>> -> memref<6x128xi32, #tpu.memory_space<vmem>>
      %dma_start3A_272 = arith.constant 0 : i32
      %dma_start3A_273 = tpu.memref_slice %arg3[%add3A_260, %dma_start3A_272] : memref<25068x128xi32, #tpu.memory_space<hbm>> -> memref<6x128xi32, #tpu.memory_space<hbm>>
      tpu.enqueue_dma source(%dma_start3A_273 : memref<6x128xi32, #tpu.memory_space<hbm>>) target(%dma_start3A_271 : memref<6x128xi32, #tpu.memory_space<vmem>>) target_semaphore(%arg10 : memref<!tpu.dma_semaphore, #tpu.memory_space<semaphore_mem>>)
      %dma_wait3A_274 = arith.constant 0 : i32
      %dma_wait3A_275 = arith.constant 0 : i32
      %dma_wait3A_276 = tpu.memref_slice %arg8[%dma_wait3A_274, %dma_wait3A_275] : memref<1536x16xf32, #tpu.memory_space<vmem>> -> memref<768x16xf32, #tpu.memory_space<vmem>>
      %dma_wait3A_277 = arith.constant 0 : i32
      %dma_wait3A_278 = arith.constant 0 : i32
      %dma_wait3A_279 = tpu.memref_slice %arg4[%dma_wait3A_277, %dma_wait3A_278] : memref<100000x16xf32, #tpu.memory_space<hbm>> -> memref<768x16xf32, #tpu.memory_space<hbm>>
      %dma_wait3A_280 = arith.constant 0 : i32
      %dma_wait3A_281 = arith.constant 0 : i32
      %dma_wait3A_282 = tpu.memref_slice %arg8[%dma_wait3A_280, %dma_wait3A_281] : memref<1536x16xf32, #tpu.memory_space<vmem>> -> memref<768x16xf32, #tpu.memory_space<vmem>>
      %dma_wait3A_283 = arith.constant 0 : i32
      %dma_wait3A_284 = arith.constant 0 : i32
      %dma_wait3A_285 = tpu.memref_slice %arg4[%dma_wait3A_283, %dma_wait3A_284] : memref<100000x16xf32, #tpu.memory_space<hbm>> -> memref<768x16xf32, #tpu.memory_space<hbm>>
      tpu.wait_dma2 semaphore(%arg11 : memref<!tpu.dma_semaphore, #tpu.memory_space<semaphore_mem>>) src(%dma_wait3A_285 : memref<768x16xf32, #tpu.memory_space<hbm>>) dst(%dma_wait3A_282 : memref<768x16xf32, #tpu.memory_space<vmem>>)
      %lt3A_286 = arith.constant 260 : i32
      %lt3A_287 = arith.cmpi slt, %scan3A_153, %lt3A_286 : i32
      %convert_element_type3A_288 = arith.extui %lt3A_287 : i1 to i32
      %cond3A_289 = arith.constant 0 : i32
      %cond3A_290 = arith.cmpi ne, %convert_element_type3A_288, %cond3A_289 : i32
      scf.if %cond3A_290 {
        %sub3A_363 = arith.constant 768 : i32
        %sub3A_364 = arith.subi %sub3A_363, %mul3A_156 : i32
        %eq3A_365 = arith.constant 0 : i32
        %eq3A_366 = arith.cmpi eq, %arg0, %eq3A_365 : i32
        %convert_element_type3A_367 = arith.extui %eq3A_366 : i1 to i32
        %cond3A_368 = arith.constant 0 : i32
        %cond3A_369 = arith.cmpi ne, %convert_element_type3A_367, %cond3A_368 : i32
        scf.if %cond3A_369 {
          %add3A_375 = arith.constant 0 : i32
          %add3A_376 = arith.addi %sub3A_364, %add3A_375 : i32
          %dma_start3A_377 = arith.constant 0 : i32
          %dma_start3A_378 = arith.constant 0 : i32
          %dma_start3A_379 = arith.constant 0 : i32
          %dma_start3A_380 = tpu.memref_slice %arg8[%add3A_376, %dma_start3A_379] : memref<1536x16xf32, #tpu.memory_space<vmem>> -> memref<128x16xf32, #tpu.memory_space<vmem>>
          %dma_start3A_381 = arith.constant 0 : i32
          %dma_start3A_382 = tpu.memref_slice %arg7[%select_n3A_169, %dma_start3A_377, %dma_start3A_378, %dma_start3A_381] : memref<3x2x6x128xi32, #tpu.memory_space<vmem>> -> memref<1x1x1x128xi32, #tpu.memory_space<vmem>>
          %dma_start3A_383 = tpu.memref_squeeze %dma_start3A_382 : memref<1x1x1x128xi32, #tpu.memory_space<vmem>> -> memref<128xi32, #tpu.memory_space<vmem>>
          %dma_start3A_384 = arith.constant 0 : i32
          %dma_start3A_385 = arith.constant 0 : i32
          %dma_start3A_386 = tpu.memref_slice %arg4[%dma_start3A_384, %dma_start3A_385] : memref<100000x16xf32, #tpu.memory_space<hbm>> -> memref<100000x16xf32, #tpu.memory_space<hbm>>
          tpu.enqueue_indirect_dma source(%dma_start3A_386 : memref<100000x16xf32, #tpu.memory_space<hbm>>) target(%dma_start3A_380 : memref<128x16xf32, #tpu.memory_space<vmem>>) offsets(%dma_start3A_383 : memref<128xi32, #tpu.memory_space<vmem>>) semaphore(%arg11 : memref<!tpu.dma_semaphore, #tpu.memory_space<semaphore_mem>>)
          %add3A_387 = arith.constant 128 : i32
          %add3A_388 = arith.addi %sub3A_364, %add3A_387 : i32
          %dma_start3A_389 = arith.constant 0 : i32
          %dma_start3A_390 = arith.constant 1 : i32
          %dma_start3A_391 = arith.constant 0 : i32
          %dma_start3A_392 = tpu.memref_slice %arg8[%add3A_388, %dma_start3A_391] : memref<1536x16xf32, #tpu.memory_space<vmem>> -> memref<128x16xf32, #tpu.memory_space<vmem>>
          %dma_start3A_393 = arith.constant 0 : i32
          %dma_start3A_394 = tpu.memref_slice %arg7[%select_n3A_169, %dma_start3A_389, %dma_start3A_390, %dma_start3A_393] : memref<3x2x6x128xi32, #tpu.memory_space<vmem>> -> memref<1x1x1x128xi32, #tpu.memory_space<vmem>>
          %dma_start3A_395 = tpu.memref_squeeze %dma_start3A_394 : memref<1x1x1x128xi32, #tpu.memory_space<vmem>> -> memref<128xi32, #tpu.memory_space<vmem>>
          %dma_start3A_396 = arith.constant 0 : i32
          %dma_start3A_397 = arith.constant 0 : i32
          %dma_start3A_398 = tpu.memref_slice %arg4[%dma_start3A_396, %dma_start3A_397] : memref<100000x16xf32, #tpu.memory_space<hbm>> -> memref<100000x16xf32, #tpu.memory_space<hbm>>
          tpu.enqueue_indirect_dma source(%dma_start3A_398 : memref<100000x16xf32, #tpu.memory_space<hbm>>) target(%dma_start3A_392 : memref<128x16xf32, #tpu.memory_space<vmem>>) offsets(%dma_start3A_395 : memref<128xi32, #tpu.memory_space<vmem>>) semaphore(%arg11 : memref<!tpu.dma_semaphore, #tpu.memory_space<semaphore_mem>>)
          %add3A_399 = arith.constant 256 : i32
          %add3A_400 = arith.addi %sub3A_364, %add3A_399 : i32
          %dma_start3A_401 = arith.constant 0 : i32
          %dma_start3A_402 = arith.constant 2 : i32
          %dma_start3A_403 = arith.constant 0 : i32
          %dma_start3A_404 = tpu.memref_slice %arg8[%add3A_400, %dma_start3A_403] : memref<1536x16xf32, #tpu.memory_space<vmem>> -> memref<128x16xf32, #tpu.memory_space<vmem>>
          %dma_start3A_405 = arith.constant 0 : i32
          %dma_start3A_406 = tpu.memref_slice %arg7[%select_n3A_169, %dma_start3A_401, %dma_start3A_402, %dma_start3A_405] : memref<3x2x6x128xi32, #tpu.memory_space<vmem>> -> memref<1x1x1x128xi32, #tpu.memory_space<vmem>>
          %dma_start3A_407 = tpu.memref_squeeze %dma_start3A_406 : memref<1x1x1x128xi32, #tpu.memory_space<vmem>> -> memref<128xi32, #tpu.memory_space<vmem>>
          %dma_start3A_408 = arith.constant 0 : i32
          %dma_start3A_409 = arith.constant 0 : i32
          %dma_start3A_410 = tpu.memref_slice %arg4[%dma_start3A_408, %dma_start3A_409] : memref<100000x16xf32, #tpu.memory_space<hbm>> -> memref<100000x16xf32, #tpu.memory_space<hbm>>
          tpu.enqueue_indirect_dma source(%dma_start3A_410 : memref<100000x16xf32, #tpu.memory_space<hbm>>) target(%dma_start3A_404 : memref<128x16xf32, #tpu.memory_space<vmem>>) offsets(%dma_start3A_407 : memref<128xi32, #tpu.memory_space<vmem>>) semaphore(%arg11 : memref<!tpu.dma_semaphore, #tpu.memory_space<semaphore_mem>>)
          %add3A_411 = arith.constant 384 : i32
          %add3A_412 = arith.addi %sub3A_364, %add3A_411 : i32
          %dma_start3A_413 = arith.constant 0 : i32
          %dma_start3A_414 = arith.constant 3 : i32
          %dma_start3A_415 = arith.constant 0 : i32
          %dma_start3A_416 = tpu.memref_slice %arg8[%add3A_412, %dma_start3A_415] : memref<1536x16xf32, #tpu.memory_space<vmem>> -> memref<128x16xf32, #tpu.memory_space<vmem>>
          %dma_start3A_417 = arith.constant 0 : i32
          %dma_start3A_418 = tpu.memref_slice %arg7[%select_n3A_169, %dma_start3A_413, %dma_start3A_414, %dma_start3A_417] : memref<3x2x6x128xi32, #tpu.memory_space<vmem>> -> memref<1x1x1x128xi32, #tpu.memory_space<vmem>>
          %dma_start3A_419 = tpu.memref_squeeze %dma_start3A_418 : memref<1x1x1x128xi32, #tpu.memory_space<vmem>> -> memref<128xi32, #tpu.memory_space<vmem>>
          %dma_start3A_420 = arith.constant 0 : i32
          %dma_start3A_421 = arith.constant 0 : i32
          %dma_start3A_422 = tpu.memref_slice %arg4[%dma_start3A_420, %dma_start3A_421] : memref<100000x16xf32, #tpu.memory_space<hbm>> -> memref<100000x16xf32, #tpu.memory_space<hbm>>
          tpu.enqueue_indirect_dma source(%dma_start3A_422 : memref<100000x16xf32, #tpu.memory_space<hbm>>) target(%dma_start3A_416 : memref<128x16xf32, #tpu.memory_space<vmem>>) offsets(%dma_start3A_419 : memref<128xi32, #tpu.memory_space<vmem>>) semaphore(%arg11 : memref<!tpu.dma_semaphore, #tpu.memory_space<semaphore_mem>>)
          %add3A_423 = arith.constant 512 : i32
          %add3A_424 = arith.addi %sub3A_364, %add3A_423 : i32
          %dma_start3A_425 = arith.constant 0 : i32
          %dma_start3A_426 = arith.constant 4 : i32
          %dma_start3A_427 = arith.constant 0 : i32
          %dma_start3A_428 = tpu.memref_slice %arg8[%add3A_424, %dma_start3A_427] : memref<1536x16xf32, #tpu.memory_space<vmem>> -> memref<128x16xf32, #tpu.memory_space<vmem>>
          %dma_start3A_429 = arith.constant 0 : i32
          %dma_start3A_430 = tpu.memref_slice %arg7[%select_n3A_169, %dma_start3A_425, %dma_start3A_426, %dma_start3A_429] : memref<3x2x6x128xi32, #tpu.memory_space<vmem>> -> memref<1x1x1x128xi32, #tpu.memory_space<vmem>>
          %dma_start3A_431 = tpu.memref_squeeze %dma_start3A_430 : memref<1x1x1x128xi32, #tpu.memory_space<vmem>> -> memref<128xi32, #tpu.memory_space<vmem>>
          %dma_start3A_432 = arith.constant 0 : i32
          %dma_start3A_433 = arith.constant 0 : i32
          %dma_start3A_434 = tpu.memref_slice %arg4[%dma_start3A_432, %dma_start3A_433] : memref<100000x16xf32, #tpu.memory_space<hbm>> -> memref<100000x16xf32, #tpu.memory_space<hbm>>
          tpu.enqueue_indirect_dma source(%dma_start3A_434 : memref<100000x16xf32, #tpu.memory_space<hbm>>) target(%dma_start3A_428 : memref<128x16xf32, #tpu.memory_space<vmem>>) offsets(%dma_start3A_431 : memref<128xi32, #tpu.memory_space<vmem>>) semaphore(%arg11 : memref<!tpu.dma_semaphore, #tpu.memory_space<semaphore_mem>>)
          %add3A_435 = arith.constant 640 : i32
          %add3A_436 = arith.addi %sub3A_364, %add3A_435 : i32
          %dma_start3A_437 = arith.constant 0 : i32
          %dma_start3A_438 = arith.constant 5 : i32
          %dma_start3A_439 = arith.constant 0 : i32
          %dma_start3A_440 = tpu.memref_slice %arg8[%add3A_436, %dma_start3A_439] : memref<1536x16xf32, #tpu.memory_space<vmem>> -> memref<128x16xf32, #tpu.memory_space<vmem>>
          %dma_start3A_441 = arith.constant 0 : i32
          %dma_start3A_442 = tpu.memref_slice %arg7[%select_n3A_169, %dma_start3A_437, %dma_start3A_438, %dma_start3A_441] : memref<3x2x6x128xi32, #tpu.memory_space<vmem>> -> memref<1x1x1x128xi32, #tpu.memory_space<vmem>>
          %dma_start3A_443 = tpu.memref_squeeze %dma_start3A_442 : memref<1x1x1x128xi32, #tpu.memory_space<vmem>> -> memref<128xi32, #tpu.memory_space<vmem>>
          %dma_start3A_444 = arith.constant 0 : i32
          %dma_start3A_445 = arith.constant 0 : i32
          %dma_start3A_446 = tpu.memref_slice %arg4[%dma_start3A_444, %dma_start3A_445] : memref<100000x16xf32, #tpu.memory_space<hbm>> -> memref<100000x16xf32, #tpu.memory_space<hbm>>
          tpu.enqueue_indirect_dma source(%dma_start3A_446 : memref<100000x16xf32, #tpu.memory_space<hbm>>) target(%dma_start3A_440 : memref<128x16xf32, #tpu.memory_space<vmem>>) offsets(%dma_start3A_443 : memref<128xi32, #tpu.memory_space<vmem>>) semaphore(%arg11 : memref<!tpu.dma_semaphore, #tpu.memory_space<semaphore_mem>>)
        } else {
        }
        %eq3A_370 = arith.constant 1 : i32
        %eq3A_371 = arith.cmpi eq, %arg0, %eq3A_370 : i32
        %convert_element_type3A_372 = arith.extui %eq3A_371 : i1 to i32
        %cond3A_373 = arith.constant 0 : i32
        %cond3A_374 = arith.cmpi ne, %convert_element_type3A_372, %cond3A_373 : i32
        scf.if %cond3A_374 {
          %add3A_375 = arith.constant 0 : i32
          %add3A_376 = arith.addi %sub3A_364, %add3A_375 : i32
          %dma_start3A_377 = arith.constant 0 : i32
          %dma_start3A_378 = arith.constant 0 : i32
          %dma_start3A_379 = arith.constant 0 : i32
          %dma_start3A_380 = tpu.memref_slice %arg8[%add3A_376, %dma_start3A_379] : memref<1536x16xf32, #tpu.memory_space<vmem>> -> memref<128x16xf32, #tpu.memory_space<vmem>>
          %dma_start3A_381 = arith.constant 0 : i32
          %dma_start3A_382 = tpu.memref_slice %arg7[%select_n3A_169, %dma_start3A_377, %dma_start3A_378, %dma_start3A_381] : memref<3x2x6x128xi32, #tpu.memory_space<vmem>> -> memref<1x1x1x128xi32, #tpu.memory_space<vmem>>
          %dma_start3A_383 = tpu.memref_squeeze %dma_start3A_382 : memref<1x1x1x128xi32, #tpu.memory_space<vmem>> -> memref<128xi32, #tpu.memory_space<vmem>>
          %dma_start3A_384 = arith.constant 0 : i32
          %dma_start3A_385 = arith.constant 0 : i32
          %dma_start3A_386 = tpu.memref_slice %arg5[%dma_start3A_384, %dma_start3A_385] : memref<100000x16xf32, #tpu.memory_space<hbm>> -> memref<100000x16xf32, #tpu.memory_space<hbm>>
          tpu.enqueue_indirect_dma source(%dma_start3A_386 : memref<100000x16xf32, #tpu.memory_space<hbm>>) target(%dma_start3A_380 : memref<128x16xf32, #tpu.memory_space<vmem>>) offsets(%dma_start3A_383 : memref<128xi32, #tpu.memory_space<vmem>>) semaphore(%arg11 : memref<!tpu.dma_semaphore, #tpu.memory_space<semaphore_mem>>)
          %add3A_387 = arith.constant 128 : i32
          %add3A_388 = arith.addi %sub3A_364, %add3A_387 : i32
          %dma_start3A_389 = arith.constant 0 : i32
          %dma_start3A_390 = arith.constant 1 : i32
          %dma_start3A_391 = arith.constant 0 : i32
          %dma_start3A_392 = tpu.memref_slice %arg8[%add3A_388, %dma_start3A_391] : memref<1536x16xf32, #tpu.memory_space<vmem>> -> memref<128x16xf32, #tpu.memory_space<vmem>>
          %dma_start3A_393 = arith.constant 0 : i32
          %dma_start3A_394 = tpu.memref_slice %arg7[%select_n3A_169, %dma_start3A_389, %dma_start3A_390, %dma_start3A_393] : memref<3x2x6x128xi32, #tpu.memory_space<vmem>> -> memref<1x1x1x128xi32, #tpu.memory_space<vmem>>
          %dma_start3A_395 = tpu.memref_squeeze %dma_start3A_394 : memref<1x1x1x128xi32, #tpu.memory_space<vmem>> -> memref<128xi32, #tpu.memory_space<vmem>>
          %dma_start3A_396 = arith.constant 0 : i32
          %dma_start3A_397 = arith.constant 0 : i32
          %dma_start3A_398 = tpu.memref_slice %arg5[%dma_start3A_396, %dma_start3A_397] : memref<100000x16xf32, #tpu.memory_space<hbm>> -> memref<100000x16xf32, #tpu.memory_space<hbm>>
          tpu.enqueue_indirect_dma source(%dma_start3A_398 : memref<100000x16xf32, #tpu.memory_space<hbm>>) target(%dma_start3A_392 : memref<128x16xf32, #tpu.memory_space<vmem>>) offsets(%dma_start3A_395 : memref<128xi32, #tpu.memory_space<vmem>>) semaphore(%arg11 : memref<!tpu.dma_semaphore, #tpu.memory_space<semaphore_mem>>)
          %add3A_399 = arith.constant 256 : i32
          %add3A_400 = arith.addi %sub3A_364, %add3A_399 : i32
          %dma_start3A_401 = arith.constant 0 : i32
          %dma_start3A_402 = arith.constant 2 : i32
          %dma_start3A_403 = arith.constant 0 : i32
          %dma_start3A_404 = tpu.memref_slice %arg8[%add3A_400, %dma_start3A_403] : memref<1536x16xf32, #tpu.memory_space<vmem>> -> memref<128x16xf32, #tpu.memory_space<vmem>>
          %dma_start3A_405 = arith.constant 0 : i32
          %dma_start3A_406 = tpu.memref_slice %arg7[%select_n3A_169, %dma_start3A_401, %dma_start3A_402, %dma_start3A_405] : memref<3x2x6x128xi32, #tpu.memory_space<vmem>> -> memref<1x1x1x128xi32, #tpu.memory_space<vmem>>
          %dma_start3A_407 = tpu.memref_squeeze %dma_start3A_406 : memref<1x1x1x128xi32, #tpu.memory_space<vmem>> -> memref<128xi32, #tpu.memory_space<vmem>>
          %dma_start3A_408 = arith.constant 0 : i32
          %dma_start3A_409 = arith.constant 0 : i32
          %dma_start3A_410 = tpu.memref_slice %arg5[%dma_start3A_408, %dma_start3A_409] : memref<100000x16xf32, #tpu.memory_space<hbm>> -> memref<100000x16xf32, #tpu.memory_space<hbm>>
          tpu.enqueue_indirect_dma source(%dma_start3A_410 : memref<100000x16xf32, #tpu.memory_space<hbm>>) target(%dma_start3A_404 : memref<128x16xf32, #tpu.memory_space<vmem>>) offsets(%dma_start3A_407 : memref<128xi32, #tpu.memory_space<vmem>>) semaphore(%arg11 : memref<!tpu.dma_semaphore, #tpu.memory_space<semaphore_mem>>)
          %add3A_411 = arith.constant 384 : i32
          %add3A_412 = arith.addi %sub3A_364, %add3A_411 : i32
          %dma_start3A_413 = arith.constant 0 : i32
          %dma_start3A_414 = arith.constant 3 : i32
          %dma_start3A_415 = arith.constant 0 : i32
          %dma_start3A_416 = tpu.memref_slice %arg8[%add3A_412, %dma_start3A_415] : memref<1536x16xf32, #tpu.memory_space<vmem>> -> memref<128x16xf32, #tpu.memory_space<vmem>>
          %dma_start3A_417 = arith.constant 0 : i32
          %dma_start3A_418 = tpu.memref_slice %arg7[%select_n3A_169, %dma_start3A_413, %dma_start3A_414, %dma_start3A_417] : memref<3x2x6x128xi32, #tpu.memory_space<vmem>> -> memref<1x1x1x128xi32, #tpu.memory_space<vmem>>
          %dma_start3A_419 = tpu.memref_squeeze %dma_start3A_418 : memref<1x1x1x128xi32, #tpu.memory_space<vmem>> -> memref<128xi32, #tpu.memory_space<vmem>>
          %dma_start3A_420 = arith.constant 0 : i32
          %dma_start3A_421 = arith.constant 0 : i32
          %dma_start3A_422 = tpu.memref_slice %arg5[%dma_start3A_420, %dma_start3A_421] : memref<100000x16xf32, #tpu.memory_space<hbm>> -> memref<100000x16xf32, #tpu.memory_space<hbm>>
          tpu.enqueue_indirect_dma source(%dma_start3A_422 : memref<100000x16xf32, #tpu.memory_space<hbm>>) target(%dma_start3A_416 : memref<128x16xf32, #tpu.memory_space<vmem>>) offsets(%dma_start3A_419 : memref<128xi32, #tpu.memory_space<vmem>>) semaphore(%arg11 : memref<!tpu.dma_semaphore, #tpu.memory_space<semaphore_mem>>)
          %add3A_423 = arith.constant 512 : i32
          %add3A_424 = arith.addi %sub3A_364, %add3A_423 : i32
          %dma_start3A_425 = arith.constant 0 : i32
          %dma_start3A_426 = arith.constant 4 : i32
          %dma_start3A_427 = arith.constant 0 : i32
          %dma_start3A_428 = tpu.memref_slice %arg8[%add3A_424, %dma_start3A_427] : memref<1536x16xf32, #tpu.memory_space<vmem>> -> memref<128x16xf32, #tpu.memory_space<vmem>>
          %dma_start3A_429 = arith.constant 0 : i32
          %dma_start3A_430 = tpu.memref_slice %arg7[%select_n3A_169, %dma_start3A_425, %dma_start3A_426, %dma_start3A_429] : memref<3x2x6x128xi32, #tpu.memory_space<vmem>> -> memref<1x1x1x128xi32, #tpu.memory_space<vmem>>
          %dma_start3A_431 = tpu.memref_squeeze %dma_start3A_430 : memref<1x1x1x128xi32, #tpu.memory_space<vmem>> -> memref<128xi32, #tpu.memory_space<vmem>>
          %dma_start3A_432 = arith.constant 0 : i32
          %dma_start3A_433 = arith.constant 0 : i32
          %dma_start3A_434 = tpu.memref_slice %arg5[%dma_start3A_432, %dma_start3A_433] : memref<100000x16xf32, #tpu.memory_space<hbm>> -> memref<100000x16xf32, #tpu.memory_space<hbm>>
          tpu.enqueue_indirect_dma source(%dma_start3A_434 : memref<100000x16xf32, #tpu.memory_space<hbm>>) target(%dma_start3A_428 : memref<128x16xf32, #tpu.memory_space<vmem>>) offsets(%dma_start3A_431 : memref<128xi32, #tpu.memory_space<vmem>>) semaphore(%arg11 : memref<!tpu.dma_semaphore, #tpu.memory_space<semaphore_mem>>)
          %add3A_435 = arith.constant 640 : i32
          %add3A_436 = arith.addi %sub3A_364, %add3A_435 : i32
          %dma_start3A_437 = arith.constant 0 : i32
          %dma_start3A_438 = arith.constant 5 : i32
          %dma_start3A_439 = arith.constant 0 : i32
          %dma_start3A_440 = tpu.memref_slice %arg8[%add3A_436, %dma_start3A_439] : memref<1536x16xf32, #tpu.memory_space<vmem>> -> memref<128x16xf32, #tpu.memory_space<vmem>>
          %dma_start3A_441 = arith.constant 0 : i32
          %dma_start3A_442 = tpu.memref_slice %arg7[%select_n3A_169, %dma_start3A_437, %dma_start3A_438, %dma_start3A_441] : memref<3x2x6x128xi32, #tpu.memory_space<vmem>> -> memref<1x1x1x128xi32, #tpu.memory_space<vmem>>
          %dma_start3A_443 = tpu.memref_squeeze %dma_start3A_442 : memref<1x1x1x128xi32, #tpu.memory_space<vmem>> -> memref<128xi32, #tpu.memory_space<vmem>>
          %dma_start3A_444 = arith.constant 0 : i32
          %dma_start3A_445 = arith.constant 0 : i32
          %dma_start3A_446 = tpu.memref_slice %arg5[%dma_start3A_444, %dma_start3A_445] : memref<100000x16xf32, #tpu.memory_space<hbm>> -> memref<100000x16xf32, #tpu.memory_space<hbm>>
          tpu.enqueue_indirect_dma source(%dma_start3A_446 : memref<100000x16xf32, #tpu.memory_space<hbm>>) target(%dma_start3A_440 : memref<128x16xf32, #tpu.memory_space<vmem>>) offsets(%dma_start3A_443 : memref<128xi32, #tpu.memory_space<vmem>>) semaphore(%arg11 : memref<!tpu.dma_semaphore, #tpu.memory_space<semaphore_mem>>)
        } else {
        }
      } else {
      }
      %add3A_291 = arith.constant 0 : i32
      %add3A_292 = arith.addi %mul3A_156, %add3A_291 : i32
      %dma_start3A_293 = arith.constant 1 : i32
      %dma_start3A_294 = arith.constant 0 : i32
      %dma_start3A_295 = arith.constant 0 : i32
      %dma_start3A_296 = tpu.memref_slice %arg8[%add3A_292, %dma_start3A_295] : memref<1536x16xf32, #tpu.memory_space<vmem>> -> memref<128x16xf32, #tpu.memory_space<vmem>>
      %dma_start3A_297 = arith.constant 0 : i32
      %dma_start3A_298 = tpu.memref_slice %arg7[%select_n3A_203, %dma_start3A_293, %dma_start3A_294, %dma_start3A_297] : memref<3x2x6x128xi32, #tpu.memory_space<vmem>> -> memref<1x1x1x128xi32, #tpu.memory_space<vmem>>
      %dma_start3A_299 = tpu.memref_squeeze %dma_start3A_298 : memref<1x1x1x128xi32, #tpu.memory_space<vmem>> -> memref<128xi32, #tpu.memory_space<vmem>>
      %dma_start3A_300 = arith.constant 0 : i32
      %dma_start3A_301 = arith.constant 0 : i32
      %dma_start3A_302 = tpu.memref_slice %arg9[%dma_start3A_300, %dma_start3A_301] : memref<100352x16xf32, #tpu.memory_space<vmem_shared>> -> memref<100352x16xf32, #tpu.memory_space<vmem_shared>>
      tpu.enqueue_indirect_dma source(%dma_start3A_296 : memref<128x16xf32, #tpu.memory_space<vmem>>) target(%dma_start3A_302 : memref<100352x16xf32, #tpu.memory_space<vmem_shared>>) offsets(%dma_start3A_299 : memref<128xi32, #tpu.memory_space<vmem>>) semaphore(%arg12 : memref<!tpu.dma_semaphore, #tpu.memory_space<semaphore_mem>>) {add = true}
      %add3A_303 = arith.constant 128 : i32
      %add3A_304 = arith.addi %mul3A_156, %add3A_303 : i32
      %dma_start3A_305 = arith.constant 1 : i32
      %dma_start3A_306 = arith.constant 1 : i32
      %dma_start3A_307 = arith.constant 0 : i32
      %dma_start3A_308 = tpu.memref_slice %arg8[%add3A_304, %dma_start3A_307] : memref<1536x16xf32, #tpu.memory_space<vmem>> -> memref<128x16xf32, #tpu.memory_space<vmem>>
      %dma_start3A_309 = arith.constant 0 : i32
      %dma_start3A_310 = tpu.memref_slice %arg7[%select_n3A_203, %dma_start3A_305, %dma_start3A_306, %dma_start3A_309] : memref<3x2x6x128xi32, #tpu.memory_space<vmem>> -> memref<1x1x1x128xi32, #tpu.memory_space<vmem>>
      %dma_start3A_311 = tpu.memref_squeeze %dma_start3A_310 : memref<1x1x1x128xi32, #tpu.memory_space<vmem>> -> memref<128xi32, #tpu.memory_space<vmem>>
      %dma_start3A_312 = arith.constant 0 : i32
      %dma_start3A_313 = arith.constant 0 : i32
      %dma_start3A_314 = tpu.memref_slice %arg9[%dma_start3A_312, %dma_start3A_313] : memref<100352x16xf32, #tpu.memory_space<vmem_shared>> -> memref<100352x16xf32, #tpu.memory_space<vmem_shared>>
      tpu.enqueue_indirect_dma source(%dma_start3A_308 : memref<128x16xf32, #tpu.memory_space<vmem>>) target(%dma_start3A_314 : memref<100352x16xf32, #tpu.memory_space<vmem_shared>>) offsets(%dma_start3A_311 : memref<128xi32, #tpu.memory_space<vmem>>) semaphore(%arg12 : memref<!tpu.dma_semaphore, #tpu.memory_space<semaphore_mem>>) {add = true}
      %add3A_315 = arith.constant 256 : i32
      %add3A_316 = arith.addi %mul3A_156, %add3A_315 : i32
      %dma_start3A_317 = arith.constant 1 : i32
      %dma_start3A_318 = arith.constant 2 : i32
      %dma_start3A_319 = arith.constant 0 : i32
      %dma_start3A_320 = tpu.memref_slice %arg8[%add3A_316, %dma_start3A_319] : memref<1536x16xf32, #tpu.memory_space<vmem>> -> memref<128x16xf32, #tpu.memory_space<vmem>>
      %dma_start3A_321 = arith.constant 0 : i32
      %dma_start3A_322 = tpu.memref_slice %arg7[%select_n3A_203, %dma_start3A_317, %dma_start3A_318, %dma_start3A_321] : memref<3x2x6x128xi32, #tpu.memory_space<vmem>> -> memref<1x1x1x128xi32, #tpu.memory_space<vmem>>
      %dma_start3A_323 = tpu.memref_squeeze %dma_start3A_322 : memref<1x1x1x128xi32, #tpu.memory_space<vmem>> -> memref<128xi32, #tpu.memory_space<vmem>>
      %dma_start3A_324 = arith.constant 0 : i32
      %dma_start3A_325 = arith.constant 0 : i32
      %dma_start3A_326 = tpu.memref_slice %arg9[%dma_start3A_324, %dma_start3A_325] : memref<100352x16xf32, #tpu.memory_space<vmem_shared>> -> memref<100352x16xf32, #tpu.memory_space<vmem_shared>>
      tpu.enqueue_indirect_dma source(%dma_start3A_320 : memref<128x16xf32, #tpu.memory_space<vmem>>) target(%dma_start3A_326 : memref<100352x16xf32, #tpu.memory_space<vmem_shared>>) offsets(%dma_start3A_323 : memref<128xi32, #tpu.memory_space<vmem>>) semaphore(%arg12 : memref<!tpu.dma_semaphore, #tpu.memory_space<semaphore_mem>>) {add = true}
      %add3A_327 = arith.constant 384 : i32
      %add3A_328 = arith.addi %mul3A_156, %add3A_327 : i32
      %dma_start3A_329 = arith.constant 1 : i32
      %dma_start3A_330 = arith.constant 3 : i32
      %dma_start3A_331 = arith.constant 0 : i32
      %dma_start3A_332 = tpu.memref_slice %arg8[%add3A_328, %dma_start3A_331] : memref<1536x16xf32, #tpu.memory_space<vmem>> -> memref<128x16xf32, #tpu.memory_space<vmem>>
      %dma_start3A_333 = arith.constant 0 : i32
      %dma_start3A_334 = tpu.memref_slice %arg7[%select_n3A_203, %dma_start3A_329, %dma_start3A_330, %dma_start3A_333] : memref<3x2x6x128xi32, #tpu.memory_space<vmem>> -> memref<1x1x1x128xi32, #tpu.memory_space<vmem>>
      %dma_start3A_335 = tpu.memref_squeeze %dma_start3A_334 : memref<1x1x1x128xi32, #tpu.memory_space<vmem>> -> memref<128xi32, #tpu.memory_space<vmem>>
      %dma_start3A_336 = arith.constant 0 : i32
      %dma_start3A_337 = arith.constant 0 : i32
      %dma_start3A_338 = tpu.memref_slice %arg9[%dma_start3A_336, %dma_start3A_337] : memref<100352x16xf32, #tpu.memory_space<vmem_shared>> -> memref<100352x16xf32, #tpu.memory_space<vmem_shared>>
      tpu.enqueue_indirect_dma source(%dma_start3A_332 : memref<128x16xf32, #tpu.memory_space<vmem>>) target(%dma_start3A_338 : memref<100352x16xf32, #tpu.memory_space<vmem_shared>>) offsets(%dma_start3A_335 : memref<128xi32, #tpu.memory_space<vmem>>) semaphore(%arg12 : memref<!tpu.dma_semaphore, #tpu.memory_space<semaphore_mem>>) {add = true}
      %add3A_339 = arith.constant 512 : i32
      %add3A_340 = arith.addi %mul3A_156, %add3A_339 : i32
      %dma_start3A_341 = arith.constant 1 : i32
      %dma_start3A_342 = arith.constant 4 : i32
      %dma_start3A_343 = arith.constant 0 : i32
      %dma_start3A_344 = tpu.memref_slice %arg8[%add3A_340, %dma_start3A_343] : memref<1536x16xf32, #tpu.memory_space<vmem>> -> memref<128x16xf32, #tpu.memory_space<vmem>>
      %dma_start3A_345 = arith.constant 0 : i32
      %dma_start3A_346 = tpu.memref_slice %arg7[%select_n3A_203, %dma_start3A_341, %dma_start3A_342, %dma_start3A_345] : memref<3x2x6x128xi32, #tpu.memory_space<vmem>> -> memref<1x1x1x128xi32, #tpu.memory_space<vmem>>
      %dma_start3A_347 = tpu.memref_squeeze %dma_start3A_346 : memref<1x1x1x128xi32, #tpu.memory_space<vmem>> -> memref<128xi32, #tpu.memory_space<vmem>>
      %dma_start3A_348 = arith.constant 0 : i32
      %dma_start3A_349 = arith.constant 0 : i32
      %dma_start3A_350 = tpu.memref_slice %arg9[%dma_start3A_348, %dma_start3A_349] : memref<100352x16xf32, #tpu.memory_space<vmem_shared>> -> memref<100352x16xf32, #tpu.memory_space<vmem_shared>>
      tpu.enqueue_indirect_dma source(%dma_start3A_344 : memref<128x16xf32, #tpu.memory_space<vmem>>) target(%dma_start3A_350 : memref<100352x16xf32, #tpu.memory_space<vmem_shared>>) offsets(%dma_start3A_347 : memref<128xi32, #tpu.memory_space<vmem>>) semaphore(%arg12 : memref<!tpu.dma_semaphore, #tpu.memory_space<semaphore_mem>>) {add = true}
      %add3A_351 = arith.constant 640 : i32
      %add3A_352 = arith.addi %mul3A_156, %add3A_351 : i32
      %dma_start3A_353 = arith.constant 1 : i32
      %dma_start3A_354 = arith.constant 5 : i32
      %dma_start3A_355 = arith.constant 0 : i32
      %dma_start3A_356 = tpu.memref_slice %arg8[%add3A_352, %dma_start3A_355] : memref<1536x16xf32, #tpu.memory_space<vmem>> -> memref<128x16xf32, #tpu.memory_space<vmem>>
      %dma_start3A_357 = arith.constant 0 : i32
      %dma_start3A_358 = tpu.memref_slice %arg7[%select_n3A_203, %dma_start3A_353, %dma_start3A_354, %dma_start3A_357] : memref<3x2x6x128xi32, #tpu.memory_space<vmem>> -> memref<1x1x1x128xi32, #tpu.memory_space<vmem>>
      %dma_start3A_359 = tpu.memref_squeeze %dma_start3A_358 : memref<1x1x1x128xi32, #tpu.memory_space<vmem>> -> memref<128xi32, #tpu.memory_space<vmem>>
      %dma_start3A_360 = arith.constant 0 : i32
      %dma_start3A_361 = arith.constant 0 : i32
      %dma_start3A_362 = tpu.memref_slice %arg9[%dma_start3A_360, %dma_start3A_361] : memref<100352x16xf32, #tpu.memory_space<vmem_shared>> -> memref<100352x16xf32, #tpu.memory_space<vmem_shared>>
      tpu.enqueue_indirect_dma source(%dma_start3A_356 : memref<128x16xf32, #tpu.memory_space<vmem>>) target(%dma_start3A_362 : memref<100352x16xf32, #tpu.memory_space<vmem_shared>>) offsets(%dma_start3A_359 : memref<128xi32, #tpu.memory_space<vmem>>) semaphore(%arg12 : memref<!tpu.dma_semaphore, #tpu.memory_space<semaphore_mem>>) {add = true}
    }
    %scan3A_68 = arith.constant 261 : i32
    %dma_wait3A = arith.constant 0 : i32
    %dma_wait3A_69 = arith.constant 0 : i32
    %dma_wait3A_70 = tpu.memref_slice %arg8[%dma_wait3A, %dma_wait3A_69] : memref<1536x16xf32, #tpu.memory_space<vmem>> -> memref<768x16xf32, #tpu.memory_space<vmem>>
    %dma_wait3A_71 = arith.constant 0 : i32
    %dma_wait3A_72 = arith.constant 0 : i32
    %dma_wait3A_73 = tpu.memref_slice %arg4[%dma_wait3A_71, %dma_wait3A_72] : memref<100000x16xf32, #tpu.memory_space<hbm>> -> memref<768x16xf32, #tpu.memory_space<hbm>>
    %dma_wait3A_74 = arith.constant 0 : i32
    %dma_wait3A_75 = arith.constant 0 : i32
    %dma_wait3A_76 = tpu.memref_slice %arg8[%dma_wait3A_74, %dma_wait3A_75] : memref<1536x16xf32, #tpu.memory_space<vmem>> -> memref<768x16xf32, #tpu.memory_space<vmem>>
    %dma_wait3A_77 = arith.constant 0 : i32
    %dma_wait3A_78 = arith.constant 0 : i32
    %dma_wait3A_79 = tpu.memref_slice %arg4[%dma_wait3A_77, %dma_wait3A_78] : memref<100000x16xf32, #tpu.memory_space<hbm>> -> memref<768x16xf32, #tpu.memory_space<hbm>>
    tpu.wait_dma2 semaphore(%arg12 : memref<!tpu.dma_semaphore, #tpu.memory_space<semaphore_mem>>) src(%dma_wait3A_79 : memref<768x16xf32, #tpu.memory_space<hbm>>) dst(%dma_wait3A_76 : memref<768x16xf32, #tpu.memory_space<vmem>>)
    %dma_wait3A_80 = arith.constant 0 : i32
    %dma_wait3A_81 = arith.constant 0 : i32
    %dma_wait3A_82 = arith.constant 0 : i32
    %dma_wait3A_83 = arith.constant 0 : i32
    %dma_wait3A_84 = tpu.memref_slice %arg7[%dma_wait3A_80, %dma_wait3A_81, %dma_wait3A_82, %dma_wait3A_83] : memref<3x2x6x128xi32, #tpu.memory_space<vmem>> -> memref<1x1x6x128xi32, #tpu.memory_space<vmem>>
    %dma_wait3A_85 = tpu.memref_squeeze %dma_wait3A_84 : memref<1x1x6x128xi32, #tpu.memory_space<vmem>> -> memref<6x128xi32, #tpu.memory_space<vmem>>
    %dma_wait3A_86 = arith.constant 0 : i32
    %dma_wait3A_87 = arith.constant 0 : i32
    %dma_wait3A_88 = tpu.memref_slice %arg2[%dma_wait3A_86, %dma_wait3A_87] : memref<25068x128xi32, #tpu.memory_space<hbm>> -> memref<6x128xi32, #tpu.memory_space<hbm>>
    %dma_wait3A_89 = arith.constant 0 : i32
    %dma_wait3A_90 = arith.constant 0 : i32
    %dma_wait3A_91 = tpu.memref_slice %arg7[%dma_wait3A_80, %dma_wait3A_81, %dma_wait3A_89, %dma_wait3A_90] : memref<3x2x6x128xi32, #tpu.memory_space<vmem>> -> memref<1x1x6x128xi32, #tpu.memory_space<vmem>>
    %dma_wait3A_92 = tpu.memref_squeeze %dma_wait3A_91 : memref<1x1x6x128xi32, #tpu.memory_space<vmem>> -> memref<6x128xi32, #tpu.memory_space<vmem>>
    %dma_wait3A_93 = arith.constant 0 : i32
    %dma_wait3A_94 = arith.constant 0 : i32
    %dma_wait3A_95 = tpu.memref_slice %arg2[%dma_wait3A_93, %dma_wait3A_94] : memref<25068x128xi32, #tpu.memory_space<hbm>> -> memref<6x128xi32, #tpu.memory_space<hbm>>
    tpu.wait_dma2 semaphore(%arg10 : memref<!tpu.dma_semaphore, #tpu.memory_space<semaphore_mem>>) src(%dma_wait3A_95 : memref<6x128xi32, #tpu.memory_space<hbm>>) dst(%dma_wait3A_92 : memref<6x128xi32, #tpu.memory_space<vmem>>)
    %dma_wait3A_96 = arith.constant 0 : i32
    %dma_wait3A_97 = arith.constant 1 : i32
    %dma_wait3A_98 = arith.constant 0 : i32
    %dma_wait3A_99 = arith.constant 0 : i32
    %dma_wait3A_100 = tpu.memref_slice %arg7[%dma_wait3A_96, %dma_wait3A_97, %dma_wait3A_98, %dma_wait3A_99] : memref<3x2x6x128xi32, #tpu.memory_space<vmem>> -> memref<1x1x6x128xi32, #tpu.memory_space<vmem>>
    %dma_wait3A_101 = tpu.memref_squeeze %dma_wait3A_100 : memref<1x1x6x128xi32, #tpu.memory_space<vmem>> -> memref<6x128xi32, #tpu.memory_space<vmem>>
    %dma_wait3A_102 = arith.constant 0 : i32
    %dma_wait3A_103 = arith.constant 0 : i32
    %dma_wait3A_104 = tpu.memref_slice %arg2[%dma_wait3A_102, %dma_wait3A_103] : memref<25068x128xi32, #tpu.memory_space<hbm>> -> memref<6x128xi32, #tpu.memory_space<hbm>>
    %dma_wait3A_105 = arith.constant 0 : i32
    %dma_wait3A_106 = arith.constant 0 : i32
    %dma_wait3A_107 = tpu.memref_slice %arg7[%dma_wait3A_96, %dma_wait3A_97, %dma_wait3A_105, %dma_wait3A_106] : memref<3x2x6x128xi32, #tpu.memory_space<vmem>> -> memref<1x1x6x128xi32, #tpu.memory_space<vmem>>
    %dma_wait3A_108 = tpu.memref_squeeze %dma_wait3A_107 : memref<1x1x6x128xi32, #tpu.memory_space<vmem>> -> memref<6x128xi32, #tpu.memory_space<vmem>>
    %dma_wait3A_109 = arith.constant 0 : i32
    %dma_wait3A_110 = arith.constant 0 : i32
    %dma_wait3A_111 = tpu.memref_slice %arg2[%dma_wait3A_109, %dma_wait3A_110] : memref<25068x128xi32, #tpu.memory_space<hbm>> -> memref<6x128xi32, #tpu.memory_space<hbm>>
    tpu.wait_dma2 semaphore(%arg10 : memref<!tpu.dma_semaphore, #tpu.memory_space<semaphore_mem>>) src(%dma_wait3A_111 : memref<6x128xi32, #tpu.memory_space<hbm>>) dst(%dma_wait3A_108 : memref<6x128xi32, #tpu.memory_space<vmem>>)
    %barrier3A_112 = arith.constant 0 : index
    tpu.barrier barrier_id(%barrier3A_112)
    %add3A_113 = arith.constant 0 : i32
    %add3A_114 = arith.addi %mul3A_5, %add3A_113 : i32
    %add3A_115 = arith.constant 0 : i32
    %add3A_116 = arith.addi %mul3A_5, %add3A_115 : i32
    "tpu.region"() ({
      %run_scoped3A_153 = tpu.sem_alloc : memref<!tpu.dma_semaphore, #tpu.memory_space<semaphore_mem>>
      %dma_start3A_154 = arith.constant 0 : i32
      %dma_start3A_155 = tpu.memref_slice %arg6[%arg0, %add3A_116, %dma_start3A_154] : memref<2x100352x16xf32, #tpu.memory_space<hbm>> -> memref<1x768x16xf32, #tpu.memory_space<hbm>>
      %dma_start3A_156 = tpu.memref_squeeze %dma_start3A_155 : memref<1x768x16xf32, #tpu.memory_space<hbm>> -> memref<768x16xf32, #tpu.memory_space<hbm>>
      %dma_start3A_157 = arith.constant 0 : i32
      %dma_start3A_158 = tpu.memref_slice %arg9[%add3A_114, %dma_start3A_157] : memref<100352x16xf32, #tpu.memory_space<vmem_shared>> -> memref<768x16xf32, #tpu.memory_space<vmem_shared>>
      tpu.enqueue_dma source(%dma_start3A_158 : memref<768x16xf32, #tpu.memory_space<vmem_shared>>) target(%dma_start3A_156 : memref<768x16xf32, #tpu.memory_space<hbm>>) target_semaphore(%run_scoped3A_153 : memref<!tpu.dma_semaphore, #tpu.memory_space<semaphore_mem>>)
      %dma_wait3A_159 = arith.constant 0 : i32
      %dma_wait3A_160 = tpu.memref_slice %arg6[%arg0, %add3A_116, %dma_wait3A_159] : memref<2x100352x16xf32, #tpu.memory_space<hbm>> -> memref<1x768x16xf32, #tpu.memory_space<hbm>>
      %dma_wait3A_161 = tpu.memref_squeeze %dma_wait3A_160 : memref<1x768x16xf32, #tpu.memory_space<hbm>> -> memref<768x16xf32, #tpu.memory_space<hbm>>
      %dma_wait3A_162 = arith.constant 0 : i32
      %dma_wait3A_163 = tpu.memref_slice %arg9[%add3A_114, %dma_wait3A_162] : memref<100352x16xf32, #tpu.memory_space<vmem_shared>> -> memref<768x16xf32, #tpu.memory_space<vmem_shared>>
      tpu.wait_dma2 semaphore(%run_scoped3A_153 : memref<!tpu.dma_semaphore, #tpu.memory_space<semaphore_mem>>) src(%dma_wait3A_163 : memref<768x16xf32, #tpu.memory_space<vmem_shared>>) dst(%dma_wait3A_161 : memref<768x16xf32, #tpu.memory_space<hbm>>)
      tpu.yield
    }) : () -> ()
    %add3A_117 = arith.constant 768 : i32
    %add3A_118 = arith.addi %mul3A_5, %add3A_117 : i32
    %add3A_119 = arith.constant 768 : i32
    %add3A_120 = arith.addi %mul3A_5, %add3A_119 : i32
    "tpu.region"() ({
      %run_scoped3A_153 = tpu.sem_alloc : memref<!tpu.dma_semaphore, #tpu.memory_space<semaphore_mem>>
      %dma_start3A_154 = arith.constant 0 : i32
      %dma_start3A_155 = tpu.memref_slice %arg6[%arg0, %add3A_120, %dma_start3A_154] : memref<2x100352x16xf32, #tpu.memory_space<hbm>> -> memref<1x768x16xf32, #tpu.memory_space<hbm>>
      %dma_start3A_156 = tpu.memref_squeeze %dma_start3A_155 : memref<1x768x16xf32, #tpu.memory_space<hbm>> -> memref<768x16xf32, #tpu.memory_space<hbm>>
      %dma_start3A_157 = arith.constant 0 : i32
      %dma_start3A_158 = tpu.memref_slice %arg9[%add3A_118, %dma_start3A_157] : memref<100352x16xf32, #tpu.memory_space<vmem_shared>> -> memref<768x16xf32, #tpu.memory_space<vmem_shared>>
      tpu.enqueue_dma source(%dma_start3A_158 : memref<768x16xf32, #tpu.memory_space<vmem_shared>>) target(%dma_start3A_156 : memref<768x16xf32, #tpu.memory_space<hbm>>) target_semaphore(%run_scoped3A_153 : memref<!tpu.dma_semaphore, #tpu.memory_space<semaphore_mem>>)
      %dma_wait3A_159 = arith.constant 0 : i32
      %dma_wait3A_160 = tpu.memref_slice %arg6[%arg0, %add3A_120, %dma_wait3A_159] : memref<2x100352x16xf32, #tpu.memory_space<hbm>> -> memref<1x768x16xf32, #tpu.memory_space<hbm>>
      %dma_wait3A_161 = tpu.memref_squeeze %dma_wait3A_160 : memref<1x768x16xf32, #tpu.memory_space<hbm>> -> memref<768x16xf32, #tpu.memory_space<hbm>>
      %dma_wait3A_162 = arith.constant 0 : i32
      %dma_wait3A_163 = tpu.memref_slice %arg9[%add3A_118, %dma_wait3A_162] : memref<100352x16xf32, #tpu.memory_space<vmem_shared>> -> memref<768x16xf32, #tpu.memory_space<vmem_shared>>
      tpu.wait_dma2 semaphore(%run_scoped3A_153 : memref<!tpu.dma_semaphore, #tpu.memory_space<semaphore_mem>>) src(%dma_wait3A_163 : memref<768x16xf32, #tpu.memory_space<vmem_shared>>) dst(%dma_wait3A_161 : memref<768x16xf32, #tpu.memory_space<hbm>>)
      tpu.yield
    }) : () -> ()
    %add3A_121 = arith.constant 1536 : i32
    %add3A_122 = arith.addi %mul3A_5, %add3A_121 : i32
    %add3A_123 = arith.constant 1536 : i32
    %add3A_124 = arith.addi %mul3A_5, %add3A_123 : i32
    "tpu.region"() ({
      %run_scoped3A_153 = tpu.sem_alloc : memref<!tpu.dma_semaphore, #tpu.memory_space<semaphore_mem>>
      %dma_start3A_154 = arith.constant 0 : i32
      %dma_start3A_155 = tpu.memref_slice %arg6[%arg0, %add3A_124, %dma_start3A_154] : memref<2x100352x16xf32, #tpu.memory_space<hbm>> -> memref<1x768x16xf32, #tpu.memory_space<hbm>>
      %dma_start3A_156 = tpu.memref_squeeze %dma_start3A_155 : memref<1x768x16xf32, #tpu.memory_space<hbm>> -> memref<768x16xf32, #tpu.memory_space<hbm>>
      %dma_start3A_157 = arith.constant 0 : i32
      %dma_start3A_158 = tpu.memref_slice %arg9[%add3A_122, %dma_start3A_157] : memref<100352x16xf32, #tpu.memory_space<vmem_shared>> -> memref<768x16xf32, #tpu.memory_space<vmem_shared>>
      tpu.enqueue_dma source(%dma_start3A_158 : memref<768x16xf32, #tpu.memory_space<vmem_shared>>) target(%dma_start3A_156 : memref<768x16xf32, #tpu.memory_space<hbm>>) target_semaphore(%run_scoped3A_153 : memref<!tpu.dma_semaphore, #tpu.memory_space<semaphore_mem>>)
      %dma_wait3A_159 = arith.constant 0 : i32
      %dma_wait3A_160 = tpu.memref_slice %arg6[%arg0, %add3A_124, %dma_wait3A_159] : memref<2x100352x16xf32, #tpu.memory_space<hbm>> -> memref<1x768x16xf32, #tpu.memory_space<hbm>>
      %dma_wait3A_161 = tpu.memref_squeeze %dma_wait3A_160 : memref<1x768x16xf32, #tpu.memory_space<hbm>> -> memref<768x16xf32, #tpu.memory_space<hbm>>
      %dma_wait3A_162 = arith.constant 0 : i32
      %dma_wait3A_163 = tpu.memref_slice %arg9[%add3A_122, %dma_wait3A_162] : memref<100352x16xf32, #tpu.memory_space<vmem_shared>> -> memref<768x16xf32, #tpu.memory_space<vmem_shared>>
      tpu.wait_dma2 semaphore(%run_scoped3A_153 : memref<!tpu.dma_semaphore, #tpu.memory_space<semaphore_mem>>) src(%dma_wait3A_163 : memref<768x16xf32, #tpu.memory_space<vmem_shared>>) dst(%dma_wait3A_161 : memref<768x16xf32, #tpu.memory_space<hbm>>)
      tpu.yield
    }) : () -> ()
    %add3A_125 = arith.constant 2304 : i32
    %add3A_126 = arith.addi %mul3A_5, %add3A_125 : i32
    %add3A_127 = arith.constant 2304 : i32
    %add3A_128 = arith.addi %mul3A_5, %add3A_127 : i32
    "tpu.region"() ({
      %run_scoped3A_153 = tpu.sem_alloc : memref<!tpu.dma_semaphore, #tpu.memory_space<semaphore_mem>>
      %dma_start3A_154 = arith.constant 0 : i32
      %dma_start3A_155 = tpu.memref_slice %arg6[%arg0, %add3A_128, %dma_start3A_154] : memref<2x100352x16xf32, #tpu.memory_space<hbm>> -> memref<1x768x16xf32, #tpu.memory_space<hbm>>
      %dma_start3A_156 = tpu.memref_squeeze %dma_start3A_155 : memref<1x768x16xf32, #tpu.memory_space<hbm>> -> memref<768x16xf32, #tpu.memory_space<hbm>>
      %dma_start3A_157 = arith.constant 0 : i32
      %dma_start3A_158 = tpu.memref_slice %arg9[%add3A_126, %dma_start3A_157] : memref<100352x16xf32, #tpu.memory_space<vmem_shared>> -> memref<768x16xf32, #tpu.memory_space<vmem_shared>>
      tpu.enqueue_dma source(%dma_start3A_158 : memref<768x16xf32, #tpu.memory_space<vmem_shared>>) target(%dma_start3A_156 : memref<768x16xf32, #tpu.memory_space<hbm>>) target_semaphore(%run_scoped3A_153 : memref<!tpu.dma_semaphore, #tpu.memory_space<semaphore_mem>>)
      %dma_wait3A_159 = arith.constant 0 : i32
      %dma_wait3A_160 = tpu.memref_slice %arg6[%arg0, %add3A_128, %dma_wait3A_159] : memref<2x100352x16xf32, #tpu.memory_space<hbm>> -> memref<1x768x16xf32, #tpu.memory_space<hbm>>
      %dma_wait3A_161 = tpu.memref_squeeze %dma_wait3A_160 : memref<1x768x16xf32, #tpu.memory_space<hbm>> -> memref<768x16xf32, #tpu.memory_space<hbm>>
      %dma_wait3A_162 = arith.constant 0 : i32
      %dma_wait3A_163 = tpu.memref_slice %arg9[%add3A_126, %dma_wait3A_162] : memref<100352x16xf32, #tpu.memory_space<vmem_shared>> -> memref<768x16xf32, #tpu.memory_space<vmem_shared>>
      tpu.wait_dma2 semaphore(%run_scoped3A_153 : memref<!tpu.dma_semaphore, #tpu.memory_space<semaphore_mem>>) src(%dma_wait3A_163 : memref<768x16xf32, #tpu.memory_space<vmem_shared>>) dst(%dma_wait3A_161 : memref<768x16xf32, #tpu.memory_space<hbm>>)
      tpu.yield
    }) : () -> ()
    %add3A_129 = arith.constant 3072 : i32
    %add3A_130 = arith.addi %mul3A_5, %add3A_129 : i32
    %add3A_131 = arith.constant 3072 : i32
    %add3A_132 = arith.addi %mul3A_5, %add3A_131 : i32
    "tpu.region"() ({
      %run_scoped3A_153 = tpu.sem_alloc : memref<!tpu.dma_semaphore, #tpu.memory_space<semaphore_mem>>
      %dma_start3A_154 = arith.constant 0 : i32
      %dma_start3A_155 = tpu.memref_slice %arg6[%arg0, %add3A_132, %dma_start3A_154] : memref<2x100352x16xf32, #tpu.memory_space<hbm>> -> memref<1x768x16xf32, #tpu.memory_space<hbm>>
      %dma_start3A_156 = tpu.memref_squeeze %dma_start3A_155 : memref<1x768x16xf32, #tpu.memory_space<hbm>> -> memref<768x16xf32, #tpu.memory_space<hbm>>
      %dma_start3A_157 = arith.constant 0 : i32
      %dma_start3A_158 = tpu.memref_slice %arg9[%add3A_130, %dma_start3A_157] : memref<100352x16xf32, #tpu.memory_space<vmem_shared>> -> memref<768x16xf32, #tpu.memory_space<vmem_shared>>
      tpu.enqueue_dma source(%dma_start3A_158 : memref<768x16xf32, #tpu.memory_space<vmem_shared>>) target(%dma_start3A_156 : memref<768x16xf32, #tpu.memory_space<hbm>>) target_semaphore(%run_scoped3A_153 : memref<!tpu.dma_semaphore, #tpu.memory_space<semaphore_mem>>)
      %dma_wait3A_159 = arith.constant 0 : i32
      %dma_wait3A_160 = tpu.memref_slice %arg6[%arg0, %add3A_132, %dma_wait3A_159] : memref<2x100352x16xf32, #tpu.memory_space<hbm>> -> memref<1x768x16xf32, #tpu.memory_space<hbm>>
      %dma_wait3A_161 = tpu.memref_squeeze %dma_wait3A_160 : memref<1x768x16xf32, #tpu.memory_space<hbm>> -> memref<768x16xf32, #tpu.memory_space<hbm>>
      %dma_wait3A_162 = arith.constant 0 : i32
      %dma_wait3A_163 = tpu.memref_slice %arg9[%add3A_130, %dma_wait3A_162] : memref<100352x16xf32, #tpu.memory_space<vmem_shared>> -> memref<768x16xf32, #tpu.memory_space<vmem_shared>>
      tpu.wait_dma2 semaphore(%run_scoped3A_153 : memref<!tpu.dma_semaphore, #tpu.memory_space<semaphore_mem>>) src(%dma_wait3A_163 : memref<768x16xf32, #tpu.memory_space<vmem_shared>>) dst(%dma_wait3A_161 : memref<768x16xf32, #tpu.memory_space<hbm>>)
      tpu.yield
    }) : () -> ()
    %add3A_133 = arith.constant 3840 : i32
    %add3A_134 = arith.addi %mul3A_5, %add3A_133 : i32
    %add3A_135 = arith.constant 3840 : i32
    %add3A_136 = arith.addi %mul3A_5, %add3A_135 : i32
    "tpu.region"() ({
      %run_scoped3A_153 = tpu.sem_alloc : memref<!tpu.dma_semaphore, #tpu.memory_space<semaphore_mem>>
      %dma_start3A_154 = arith.constant 0 : i32
      %dma_start3A_155 = tpu.memref_slice %arg6[%arg0, %add3A_136, %dma_start3A_154] : memref<2x100352x16xf32, #tpu.memory_space<hbm>> -> memref<1x768x16xf32, #tpu.memory_space<hbm>>
      %dma_start3A_156 = tpu.memref_squeeze %dma_start3A_155 : memref<1x768x16xf32, #tpu.memory_space<hbm>> -> memref<768x16xf32, #tpu.memory_space<hbm>>
      %dma_start3A_157 = arith.constant 0 : i32
      %dma_start3A_158 = tpu.memref_slice %arg9[%add3A_134, %dma_start3A_157] : memref<100352x16xf32, #tpu.memory_space<vmem_shared>> -> memref<768x16xf32, #tpu.memory_space<vmem_shared>>
      tpu.enqueue_dma source(%dma_start3A_158 : memref<768x16xf32, #tpu.memory_space<vmem_shared>>) target(%dma_start3A_156 : memref<768x16xf32, #tpu.memory_space<hbm>>) target_semaphore(%run_scoped3A_153 : memref<!tpu.dma_semaphore, #tpu.memory_space<semaphore_mem>>)
      %dma_wait3A_159 = arith.constant 0 : i32
      %dma_wait3A_160 = tpu.memref_slice %arg6[%arg0, %add3A_136, %dma_wait3A_159] : memref<2x100352x16xf32, #tpu.memory_space<hbm>> -> memref<1x768x16xf32, #tpu.memory_space<hbm>>
      %dma_wait3A_161 = tpu.memref_squeeze %dma_wait3A_160 : memref<1x768x16xf32, #tpu.memory_space<hbm>> -> memref<768x16xf32, #tpu.memory_space<hbm>>
      %dma_wait3A_162 = arith.constant 0 : i32
      %dma_wait3A_163 = tpu.memref_slice %arg9[%add3A_134, %dma_wait3A_162] : memref<100352x16xf32, #tpu.memory_space<vmem_shared>> -> memref<768x16xf32, #tpu.memory_space<vmem_shared>>
      tpu.wait_dma2 semaphore(%run_scoped3A_153 : memref<!tpu.dma_semaphore, #tpu.memory_space<semaphore_mem>>) src(%dma_wait3A_163 : memref<768x16xf32, #tpu.memory_space<vmem_shared>>) dst(%dma_wait3A_161 : memref<768x16xf32, #tpu.memory_space<hbm>>)
      tpu.yield
    }) : () -> ()
    %add3A_137 = arith.constant 4608 : i32
    %add3A_138 = arith.addi %mul3A_5, %add3A_137 : i32
    %add3A_139 = arith.constant 4608 : i32
    %add3A_140 = arith.addi %mul3A_5, %add3A_139 : i32
    "tpu.region"() ({
      %run_scoped3A_153 = tpu.sem_alloc : memref<!tpu.dma_semaphore, #tpu.memory_space<semaphore_mem>>
      %dma_start3A_154 = arith.constant 0 : i32
      %dma_start3A_155 = tpu.memref_slice %arg6[%arg0, %add3A_140, %dma_start3A_154] : memref<2x100352x16xf32, #tpu.memory_space<hbm>> -> memref<1x768x16xf32, #tpu.memory_space<hbm>>
      %dma_start3A_156 = tpu.memref_squeeze %dma_start3A_155 : memref<1x768x16xf32, #tpu.memory_space<hbm>> -> memref<768x16xf32, #tpu.memory_space<hbm>>
      %dma_start3A_157 = arith.constant 0 : i32
      %dma_start3A_158 = tpu.memref_slice %arg9[%add3A_138, %dma_start3A_157] : memref<100352x16xf32, #tpu.memory_space<vmem_shared>> -> memref<768x16xf32, #tpu.memory_space<vmem_shared>>
      tpu.enqueue_dma source(%dma_start3A_158 : memref<768x16xf32, #tpu.memory_space<vmem_shared>>) target(%dma_start3A_156 : memref<768x16xf32, #tpu.memory_space<hbm>>) target_semaphore(%run_scoped3A_153 : memref<!tpu.dma_semaphore, #tpu.memory_space<semaphore_mem>>)
      %dma_wait3A_159 = arith.constant 0 : i32
      %dma_wait3A_160 = tpu.memref_slice %arg6[%arg0, %add3A_140, %dma_wait3A_159] : memref<2x100352x16xf32, #tpu.memory_space<hbm>> -> memref<1x768x16xf32, #tpu.memory_space<hbm>>
      %dma_wait3A_161 = tpu.memref_squeeze %dma_wait3A_160 : memref<1x768x16xf32, #tpu.memory_space<hbm>> -> memref<768x16xf32, #tpu.memory_space<hbm>>
      %dma_wait3A_162 = arith.constant 0 : i32
      %dma_wait3A_163 = tpu.memref_slice %arg9[%add3A_138, %dma_wait3A_162] : memref<100352x16xf32, #tpu.memory_space<vmem_shared>> -> memref<768x16xf32, #tpu.memory_space<vmem_shared>>
      tpu.wait_dma2 semaphore(%run_scoped3A_153 : memref<!tpu.dma_semaphore, #tpu.memory_space<semaphore_mem>>) src(%dma_wait3A_163 : memref<768x16xf32, #tpu.memory_space<vmem_shared>>) dst(%dma_wait3A_161 : memref<768x16xf32, #tpu.memory_space<hbm>>)
      tpu.yield
    }) : () -> ()
    %add3A_141 = arith.constant 5376 : i32
    %add3A_142 = arith.addi %mul3A_5, %add3A_141 : i32
    %add3A_143 = arith.constant 5376 : i32
    %add3A_144 = arith.addi %mul3A_5, %add3A_143 : i32
    "tpu.region"() ({
      %run_scoped3A_153 = tpu.sem_alloc : memref<!tpu.dma_semaphore, #tpu.memory_space<semaphore_mem>>
      %dma_start3A_154 = arith.constant 0 : i32
      %dma_start3A_155 = tpu.memref_slice %arg6[%arg0, %add3A_144, %dma_start3A_154] : memref<2x100352x16xf32, #tpu.memory_space<hbm>> -> memref<1x768x16xf32, #tpu.memory_space<hbm>>
      %dma_start3A_156 = tpu.memref_squeeze %dma_start3A_155 : memref<1x768x16xf32, #tpu.memory_space<hbm>> -> memref<768x16xf32, #tpu.memory_space<hbm>>
      %dma_start3A_157 = arith.constant 0 : i32
      %dma_start3A_158 = tpu.memref_slice %arg9[%add3A_142, %dma_start3A_157] : memref<100352x16xf32, #tpu.memory_space<vmem_shared>> -> memref<768x16xf32, #tpu.memory_space<vmem_shared>>
      tpu.enqueue_dma source(%dma_start3A_158 : memref<768x16xf32, #tpu.memory_space<vmem_shared>>) target(%dma_start3A_156 : memref<768x16xf32, #tpu.memory_space<hbm>>) target_semaphore(%run_scoped3A_153 : memref<!tpu.dma_semaphore, #tpu.memory_space<semaphore_mem>>)
      %dma_wait3A_159 = arith.constant 0 : i32
      %dma_wait3A_160 = tpu.memref_slice %arg6[%arg0, %add3A_144, %dma_wait3A_159] : memref<2x100352x16xf32, #tpu.memory_space<hbm>> -> memref<1x768x16xf32, #tpu.memory_space<hbm>>
      %dma_wait3A_161 = tpu.memref_squeeze %dma_wait3A_160 : memref<1x768x16xf32, #tpu.memory_space<hbm>> -> memref<768x16xf32, #tpu.memory_space<hbm>>
      %dma_wait3A_162 = arith.constant 0 : i32
      %dma_wait3A_163 = tpu.memref_slice %arg9[%add3A_142, %dma_wait3A_162] : memref<100352x16xf32, #tpu.memory_space<vmem_shared>> -> memref<768x16xf32, #tpu.memory_space<vmem_shared>>
      tpu.wait_dma2 semaphore(%run_scoped3A_153 : memref<!tpu.dma_semaphore, #tpu.memory_space<semaphore_mem>>) src(%dma_wait3A_163 : memref<768x16xf32, #tpu.memory_space<vmem_shared>>) dst(%dma_wait3A_161 : memref<768x16xf32, #tpu.memory_space<hbm>>)
      tpu.yield
    }) : () -> ()
    %add3A_145 = arith.constant 6272 : i32
    %add3A_146 = arith.addi %mul3A_5, %add3A_145 : i32
    %sub3A_147 = arith.constant 128 : i32
    %sub3A_148 = arith.subi %add3A_146, %sub3A_147 : i32
    %add3A_149 = arith.constant 6272 : i32
    %add3A_150 = arith.addi %mul3A_5, %add3A_149 : i32
    %sub3A_151 = arith.constant 128 : i32
    %sub3A_152 = arith.subi %add3A_150, %sub3A_151 : i32
    "tpu.region"() ({
      %run_scoped3A_153 = tpu.sem_alloc : memref<!tpu.dma_semaphore, #tpu.memory_space<semaphore_mem>>
      %dma_start3A_154 = arith.constant 0 : i32
      %dma_start3A_155 = tpu.memref_slice %arg6[%arg0, %sub3A_152, %dma_start3A_154] : memref<2x100352x16xf32, #tpu.memory_space<hbm>> -> memref<1x128x16xf32, #tpu.memory_space<hbm>>
      %dma_start3A_156 = tpu.memref_squeeze %dma_start3A_155 : memref<1x128x16xf32, #tpu.memory_space<hbm>> -> memref<128x16xf32, #tpu.memory_space<hbm>>
      %dma_start3A_157 = arith.constant 0 : i32
      %dma_start3A_158 = tpu.memref_slice %arg9[%sub3A_148, %dma_start3A_157] : memref<100352x16xf32, #tpu.memory_space<vmem_shared>> -> memref<128x16xf32, #tpu.memory_space<vmem_shared>>
      tpu.enqueue_dma source(%dma_start3A_158 : memref<128x16xf32, #tpu.memory_space<vmem_shared>>) target(%dma_start3A_156 : memref<128x16xf32, #tpu.memory_space<hbm>>) target_semaphore(%run_scoped3A_153 : memref<!tpu.dma_semaphore, #tpu.memory_space<semaphore_mem>>)
      %dma_wait3A_159 = arith.constant 0 : i32
      %dma_wait3A_160 = tpu.memref_slice %arg6[%arg0, %sub3A_152, %dma_wait3A_159] : memref<2x100352x16xf32, #tpu.memory_space<hbm>> -> memref<1x128x16xf32, #tpu.memory_space<hbm>>
      %dma_wait3A_161 = tpu.memref_squeeze %dma_wait3A_160 : memref<1x128x16xf32, #tpu.memory_space<hbm>> -> memref<128x16xf32, #tpu.memory_space<hbm>>
      %dma_wait3A_162 = arith.constant 0 : i32
      %dma_wait3A_163 = tpu.memref_slice %arg9[%sub3A_148, %dma_wait3A_162] : memref<100352x16xf32, #tpu.memory_space<vmem_shared>> -> memref<128x16xf32, #tpu.memory_space<vmem_shared>>
      tpu.wait_dma2 semaphore(%run_scoped3A_153 : memref<!tpu.dma_semaphore, #tpu.memory_space<semaphore_mem>>) src(%dma_wait3A_163 : memref<128x16xf32, #tpu.memory_space<vmem_shared>>) dst(%dma_wait3A_161 : memref<128x16xf32, #tpu.memory_space<hbm>>)
      tpu.yield
    }) : () -> ()
    return
  }
}

module attributes {stable_mosaic.version = 14 : i64} {
  func.func @_mm_body(%arg0: i32, %arg1: memref<1024x16xf32, #tpu.memory_space<vmem>>, %arg2: memref<1024x16xf32, #tpu.memory_space<vmem>>, %arg3: memref<16x50xf32, #tpu.memory_space<vmem>>, %arg4: memref<16x50xf32, #tpu.memory_space<vmem>>, %arg5: memref<1x50xf32, #tpu.memory_space<vmem>>, %arg6: memref<1024x50xf32, #tpu.memory_space<vmem>>) attributes {dimension_semantics = [#tpu.dimension_semantics<arbitrary>], iteration_bounds = array<i64: 98>, scalar_prefetch = 0 : i64, scratch_operands = 0 : i64, tpu.core_type = #tpu.core_type<tc>, window_params = [{transform_indices = @transform_0, window_bounds = array<i64: 1024, 16>}, {transform_indices = @transform_1, window_bounds = array<i64: 1024, 16>}, {pipeline_mode = #tpu.pipeline_mode<synchronous>, transform_indices = @transform_2, window_bounds = array<i64: 16, 50>}, {pipeline_mode = #tpu.pipeline_mode<synchronous>, transform_indices = @transform_3, window_bounds = array<i64: 16, 50>}, {pipeline_mode = #tpu.pipeline_mode<synchronous>, transform_indices = @transform_4, window_bounds = array<i64: 1, 50>}, {transform_indices = @transform_5, window_bounds = array<i64: 1024, 50>}]} {
    %get3A = arith.constant 0 : index
    %get3A_0 = arith.constant 0 : index
    %get3A_1 = vector.load %arg1[%get3A, %get3A_0] : memref<1024x16xf32, #tpu.memory_space<vmem>>, vector<1024x16xf32>
    %get3A_2 = arith.constant 0 : index
    %get3A_3 = arith.constant 0 : index
    %get3A_4 = vector.load %arg3[%get3A_2, %get3A_3] : memref<16x50xf32, #tpu.memory_space<vmem>>, vector<16x50xf32>
    %dot_general3A = arith.constant dense<0.000000e+00> : vector<1024x50xf32>
    %dot_general3A_5 = tpu.matmul %get3A_1, %get3A_4, %dot_general3A {dimension_numbers = #tpu.dot_dimension_numbers<[1], [0], [0], [1], [0, 0, 1, 1], [], []>, transpose_lhs_hint = false} : vector<1024x16xf32>, vector<16x50xf32>, vector<1024x50xf32> -> vector<1024x50xf32>
    %get3A_6 = arith.constant 0 : index
    %get3A_7 = arith.constant 0 : index
    %get3A_8 = vector.load %arg2[%get3A_6, %get3A_7] : memref<1024x16xf32, #tpu.memory_space<vmem>>, vector<1024x16xf32>
    %get3A_9 = arith.constant 0 : index
    %get3A_10 = arith.constant 0 : index
    %get3A_11 = vector.load %arg4[%get3A_9, %get3A_10] : memref<16x50xf32, #tpu.memory_space<vmem>>, vector<16x50xf32>
    %dot_general3A_12 = arith.constant dense<0.000000e+00> : vector<1024x50xf32>
    %dot_general3A_13 = tpu.matmul %get3A_8, %get3A_11, %dot_general3A_12 {dimension_numbers = #tpu.dot_dimension_numbers<[1], [0], [0], [1], [0, 0, 1, 1], [], []>, transpose_lhs_hint = false} : vector<1024x16xf32>, vector<16x50xf32>, vector<1024x50xf32> -> vector<1024x50xf32>
    %add3A = arith.addf %dot_general3A_5, %dot_general3A_13 : vector<1024x50xf32>
    %get3A_14 = arith.constant 0 : index
    %get3A_15 = arith.constant 0 : index
    %get3A_16 = vector.load %arg5[%get3A_14, %get3A_15] : memref<1x50xf32, #tpu.memory_space<vmem>>, vector<1x50xf32>
    %add3A_17 = vector.broadcast %get3A_16 : vector<1x50xf32> to vector<1024x50xf32>
    %add3A_18 = arith.addf %add3A, %add3A_17 : vector<1024x50xf32>
    %max3A = arith.constant 0.000000e+00 : f32
    %max3A_19 = vector.broadcast %max3A : f32 to vector<1024x50xf32>
    %max3A_20 = arith.maximumf %add3A_18, %max3A_19 : vector<1024x50xf32>
    %swap3A = arith.constant 0 : index
    %swap3A_21 = arith.constant 0 : index
    %swap3A_22 = vector.load %arg6[%swap3A, %swap3A_21] : memref<1024x50xf32, #tpu.memory_space<vmem>>, vector<1024x50xf32>
    tpu.vector_store %arg6[%swap3A, %swap3A_21], %max3A_20 {strides = array<i32>} : memref<1024x50xf32, #tpu.memory_space<vmem>>, vector<1024x50xf32>,
    return
  }
  func.func @transform_0(%arg0: i32) -> (i32, i32) {
    %c0_i32 = arith.constant 0 : i32
    %c0_i32_0 = arith.constant 0 : i32
    return %arg0, %c0_i32 : i32, i32
  }
  func.func @transform_1(%arg0: i32) -> (i32, i32) {
    %c0_i32 = arith.constant 0 : i32
    %c0_i32_0 = arith.constant 0 : i32
    return %arg0, %c0_i32 : i32, i32
  }
  func.func @transform_2(%arg0: i32) -> (i32, i32) {
    %c0_i32 = arith.constant 0 : i32
    %c0_i32_0 = arith.constant 0 : i32
    %c0_i32_1 = arith.constant 0 : i32
    return %c0_i32, %c0_i32_0 : i32, i32
  }
  func.func @transform_3(%arg0: i32) -> (i32, i32) {
    %c0_i32 = arith.constant 0 : i32
    %c0_i32_0 = arith.constant 0 : i32
    %c0_i32_1 = arith.constant 0 : i32
    return %c0_i32, %c0_i32_0 : i32, i32
  }
  func.func @transform_4(%arg0: i32) -> (i32, i32) {
    %c0_i32 = arith.constant 0 : i32
    %c0_i32_0 = arith.constant 0 : i32
    %c0_i32_1 = arith.constant 0 : i32
    return %c0_i32, %c0_i32_0 : i32, i32
  }
  func.func @transform_5(%arg0: i32) -> (i32, i32) {
    %c0_i32 = arith.constant 0 : i32
    %c0_i32_0 = arith.constant 0 : i32
    return %arg0, %c0_i32 : i32, i32
  }
}

</mosaic_0001>

<sc_bundles>
// kernel: kernel.4.cloned.1.call-start
scs
__scs_entry_jumppad:
0x0: {  	(pc) =	sbr.rel $0x88, $3  }
0x1: {  	(tag) =	ssettag $0x0;
	lr =	simm.s32 $0x1  }
0x2: {  	[smem:$0x3F9D] =	sst lr;
	_ =	strace $0xD0000000  }
0x3: {  	_ = 	snop  }
0x4: {  	_ = 	snop  }
0x5: {  	_ = 	snop  }
0x6: {  	_ = 	snop  }
0x7: {  	_ = 	snop  }
__scs_overlays_trampoline_lowered:
0x8: {  	[smem:$0x3FAC] =	sst s0  }
0x9: {  	[smem:$0x3FAD] =	sst s1  }
0xa: {  	[smem:$0x3FAE] =	sst s2  }
0xb: {  	[smem:$0x3FAF] =	sst s3  }
0xc: {  	[smem:$0x3FB0] =	sst s4  }
0xd: {  	[smem:$0x3FB1] =	sst s5  }
0xe: {  	[smem:$0x3FB2] =	sst s6  }
0xf: {  	[smem:$0x3FB3] =	sst s7  }
0x10: {  	[smem:$0x3FB4] =	sst s8  }
0x11: {  	[smem:$0x3FB5] =	sst s9;
	s0 =	simm.s32 @!p0 $0x0  }
0x12: {  	s1 =	sld [smem:$0x3F9B];
	s0 =	simm.s32 @p0 $0x1  }
0x13: {  	[smem:$0x3FB6] =	sst s0;
	s0 =	simm.s32 @!p1 $0x0  }
0x14: {  	s2 =	sld [smem:$0x3F9A];
	s0 =	simm.s32 @p1 $0x1  }
0x15: {  	[smem:$0x3FB7] =	sst s0;
	s0 =	simm.s32 @!p2 $0x0  }
0x16: {  	s3 =	sld [smem:$0x3FDB];
	s0 =	simm.s32 @p2 $0x1  }
0x17: {  	s4 =	simm.s32 $0x1BF5;
	[smem:$0x3FB9] =	sst s0  }
0x18: {  	s0 =	sld [smem:$0x3F9C];
	_ =	swait.ge [sflag:s4], $0x0  }
0x19: {  	s7 =	sld [smem:$0x3F9D]  }
0x1a: {  	s8 =	sadd.s32 $0xFFFFE003, lr  }
0x1b: {  	s9 =	sadd.s32 $0xFFFFFEF7, lr;
	s5 =	simm.s32 $0xFFFFFFFF;
	p2 =	slt.u32 s8, $0xFFFFF086  }
0x1c: {  	p1 =	slt.u32 s9, $0xF7A;
	s5 =	simm.s32 @!p2 $0x0  }
0x1d: {  	s5 =	simm.s32 @p1 $0x1;
	p0 =	seq.s32 s7, s2  }
0x1e: {  	s7 =	smul.u32 @!p0 $0xF7A, s2;
	p2 =	seq.s32 @!p0 s5, $0x0  }
0x1f: {  	s9 =	smul.u32 $0xF7A, s1;
	s8 =	simm.s32 @!p0 $0x1BF5;
	p2 =	por !p2, p0  }
0x20: {  	[sflag:s8] =	ssyncset.s32 @!p0 $0xFFFFF086;
	s6 =	sadd.s32 @!p0 s3, s7;
	s7 =	simm.s32 @!p0 $0x108  }
0x21: {  	s3 =	sadd.s32 s3, s9;
	s6 =	sadd.s32 @!p0 $0x88, s6;
	s7 =	simm.s32 @p2 $0x1082  }
0x22: {  	[simem:s7], [sflag:s8] =	dma.local @!p0 [hbm:s6], $0xF7A  }
0x23: {  	s9 =	sor.u32 $0xD0000000, s2;
	s6 =	simm.s32 $0x108;
	_ =	swait.ge @!p0 [sflag:s8], $0x0  }
0x24: {  	s3 =	sadd.s32 $0x88, s3;
	s6 =	simm.s32 @!p1 $0x1082;
	[sflag:s4] =	ssyncset.s32 $0xFFFFF086  }
0x25: {  	[simem:s6], [sflag:s4] =	dma.local [hbm:s3], $0xF7A  }
0x26: {  	[smem:$0x3F9D] =	sst s1;
	(tag) =	ssettag s2;
	_ =	strace s9  }
0x27: {  	s1 =	sld [smem:$0x3FAD]  }
0x28: {  	s2 =	sld [smem:$0x3FAE]  }
0x29: {  	s4 =	sld [smem:$0x3FB0]  }
0x2a: {  	p0 =	seq.s32 s5, $0x0;
	s5 =	sld [smem:$0x3FB1]  }
0x2b: {  	s6 =	sld [smem:$0x3FB2]  }
0x2c: {  	s7 =	sld [smem:$0x3FB3]  }
0x2d: {  	s3 =	simm.s32 $0x108;
	s8 =	sld [smem:$0x3FB4]  }
0x2e: {  	s3 =	simm.s32 @!p0 $0x1082;
	s9 =	sld [smem:$0x3FB5]  }
0x2f: {  	lr =	sadd.s32 s0, s3;
	s0 =	sld [smem:$0x3FAC]  }
0x30: {  	s3 =	sld [smem:$0x3FAF]  }
0x31: {  	[smem:$0x3FB8] =	sst s10  }
0x32: {  	s10 =	sld [smem:$0x3FB6];
	_ =	sdelay $0x3  }
0x33: {  	p0 =	seq.s32 s10, $0x1;
	s10 =	sld [smem:$0x3FB8];
	_ =	sdelay $0x3  }
0x34: {  	[smem:$0x3FB8] =	sst s10  }
0x35: {  	s10 =	sld [smem:$0x3FB7];
	_ =	sdelay $0x3  }
0x36: {  	p1 =	seq.s32 s10, $0x1;
	s10 =	sld [smem:$0x3FB8];
	_ =	sdelay $0x3  }
0x37: {  	[smem:$0x3FB8] =	sst s10  }
0x38: {  	s10 =	sld [smem:$0x3FB9]  }
0x39: {  	_ = 	snop;
	(pc) =	sbr.ind lr, $3  }
0x3a: {  	_ = 	snop  }
0x3b: {  	_ = 	snop  }
0x3c: {  	p2 =	seq.s32 s10, $0x1;
	s10 =	sld [smem:$0x3FB8]  }
0x3d: {  	_ =	shalt  }
0x3e: {  	_ =	shalt  }
0x3f: {  	_ =	shalt  }
0x40: {  	_ =	shalt  }
0x41: {  	_ =	shalt  }
0x42: {  	_ =	shalt  }
0x43: {  	_ =	shalt  }
0x44: {  	_ =	shalt  }
0x45: {  	_ =	shalt  }
0x46: {  	_ =	shalt  }
0x47: {  	_ =	shalt  }
0x48: {  	_ =	shalt  }
0x49: {  	_ =	shalt  }
0x4a: {  	_ =	shalt  }
0x4b: {  	_ =	shalt  }
0x4c: {  	_ =	shalt  }
0x4d: {  	_ =	shalt  }
0x4e: {  	_ =	shalt  }
0x4f: {  	_ =	shalt  }
0x50: {  	_ =	shalt  }
0x51: {  	_ =	shalt  }
0x52: {  	_ =	shalt  }
0x53: {  	_ =	shalt  }
0x54: {  	_ =	shalt  }
0x55: {  	_ =	shalt  }
0x56: {  	_ =	shalt  }
0x57: {  	_ =	shalt  }
0x58: {  	_ =	shalt  }
0x59: {  	_ =	shalt  }
0x5a: {  	_ =	shalt  }
0x5b: {  	_ =	shalt  }
0x5c: {  	_ =	shalt  }
0x5d: {  	_ =	shalt  }
0x5e: {  	_ =	shalt  }
0x5f: {  	_ =	shalt  }
0x60: {  	_ =	shalt  }
0x61: {  	_ =	shalt  }
0x62: {  	_ =	shalt  }
0x63: {  	_ =	shalt  }
0x64: {  	_ =	shalt  }
0x65: {  	_ =	shalt  }
0x66: {  	_ =	shalt  }
0x67: {  	_ =	shalt  }
0x68: {  	_ =	shalt  }
0x69: {  	_ =	shalt  }
0x6a: {  	_ =	shalt  }
0x6b: {  	_ =	shalt  }
0x6c: {  	_ =	shalt  }
0x6d: {  	_ =	shalt  }
0x6e: {  	_ =	shalt  }
0x6f: {  	_ =	shalt  }
0x70: {  	_ =	shalt  }
0x71: {  	_ =	shalt  }
0x72: {  	_ =	shalt  }
0x73: {  	_ =	shalt  }
0x74: {  	_ =	shalt  }
0x75: {  	_ =	shalt  }
0x76: {  	_ =	shalt  }
0x77: {  	_ =	shalt  }
0x78: {  	_ =	shalt  }
0x79: {  	_ =	shalt  }
0x7a: {  	_ =	shalt  }
0x7b: {  	_ =	shalt  }
0x7c: {  	_ =	shalt  }
0x7d: {  	_ =	shalt  }
0x7e: {  	_ =	shalt  }
0x7f: {  	_ =	shalt  }
0x80: {  	_ =	shalt  }
0x81: {  	_ =	shalt  }
0x82: {  	_ =	shalt  }
0x83: {  	_ =	shalt  }
0x84: {  	_ =	shalt  }
0x85: {  	_ =	shalt  }
0x86: {  	_ =	shalt  }
0x87: {  	_ =	shalt  }
.Lfunc_end0:
.L_simem_size_0:
called_computation_lowered:
.L_overlay_start_0:
0x88: {  	s2 =	sld [smem:$0x3FD9]  }
0x89: {  	s3 =	sld [smem:$0x3FFE];
	_ =	sdelay $0x1  }
0x8a: {  	s1 =	srdreg.scid  }
0x8b: {  	s0 =	sand.u32 $0x1, s1  }
0x8c: {  	s17 =	sshll.u32 s0, $0xA;
	s2 =	sadd.s32 s3, s2  }
0x8d: {  	s2 =	sadd.s32 s2, s17  }
0x8e: {  	[smem:$0x3FC4] =	sst s2  }
0x8f: {  	_ = 	snop  }
0x90: {  	s2 =	sld [smem:$0x3FD0];
	(tm) =	ssettm $0x1  }
0x91: {  	s18 =	sld [smem:$0x3FFB];
	_ =	sdelay $0x3  }
0x92: {  	_ =	strace s18  }
0x93: {  	s3 =	sld [smem:$0x3FFC];
	_ =	sdelay $0x3  }
0x94: {  	_ =	strace s3  }
0x95: {  	s3 =	sld [smem:$0x3FFD];
	_ =	sdelay $0x3  }
0x96: {  	_ =	strace s3  }
0x97: {  	_ =	strace $0x8FFFFFFF  }
0x98: {  	s19 =	sld [smem:$0x3FDB];
	_ =	sdelay $0x1  }
0x99: {  	s4 =	simm.s32 $_scs_section_size  }
0x9a: {  	s5 =	simm.s32 $_size__tile_overlayer_lowered;
	s6 =	simm.s32 $_tile_overlayer_lowered  }
0x9b: {  	s22 =	simm.s32 $0x1BFF;
	s21 =	sshll.u32 s6, $0x1;
	s3 =	sadd.s32 s4, s19  }
0x9c: {  	s7 =	simm.s32 $0x0;
	s20 =	sshll.u32 s5, $0x1;
	s5 =	sadd.s32 s21, s3  }
0x9d: {  	[timem:s7], [sflag:s22] =	dma.local [hbm:s5], s20  }
0x9e: {  	_ =	swait.ge [sflag:s22], s20  }
0x9f: {  	s4 =	ssub.s32 $0x0, s20;
	[sflag:s22] =	ssyncset.done $0x0  }
0xa0: {  	[sflag:s22] =	ssyncadd.s32 s4;
	_ =	sdelay $0x1  }
0xa1: {  	s23 =	simm.s32 $0x1B8B  }
0xa2: {  	_ =	swait.ge [sflag:s23], $0x1  }
0xa3: {  	[sflag:s23] =	ssyncset.done $0x0  }
0xa4: {  	s25 =	simm.s32 $0x1B8E;
	s24 =	sld [smem:$0x3FFE];
	[sflag:s23] =	ssyncadd.s32 $0xFFFFFFFF  }
0xa5: {  	s26 =	simm.s32 $execute0_lowered;
	[smem:$0x3FD2] =	sst s25  }
0xa6: {  	s5 =	sshll.u32 s26, $0x1;
	_ =	strace $0x80000046;
	[dreg:$0x1] =	wrdreg $0xFFFFFFFF  }
0xa7: {  	s28 =	simm.s32 $_size_execute0_lowered;
	s3 =	sadd.s32 s3, s5;
	[dreg:$0x0] =	wrdreg $0x0  }
0xa8: {  	s5 =	sshll.u32 s28, $0x1;
	[dreg:$0x2] =	wrdreg s3  }
0xa9: {  	[dreg:$0x3] =	wrdreg s5  }
0xaa: {  	[dreg:$0x4] =	wrdreg $0xC0  }
0xab: {  	_ =	task [dreg:s7], $0x5FFFF  }
0xac: {  	[dreg:$0x1] =	wrdreg $0xFFFFFFFF  }
0xad: {  	[dreg:$0x0] =	wrdreg $0x60  }
0xae: {  	[dreg:$0x2] =	wrdreg s24  }
0xaf: {  	[dreg:$0x3] =	wrdreg s2  }
0xb0: {  	[dreg:$0x4] =	wrdreg $0x72000  }
0xb1: {  	[dreg:$0x5] =	wrdreg $0x9  }
0xb2: {  	_ =	task.clear_ibuf [dreg:s7], $0x6FFFF;
	_ =	strace $0x90000046  }
0xb3: {  	s29 =	simm.s32 $0x9;
	_ =	strace $0x80000048  }
0xb4: {  	_ =	swait.ge [sflag:s29], $0x1  }
0xb5: {  	[sflag:s29] =	ssyncadd.s32 $0xFFFFFFFF  }
0xb6: {  	_ =	strace $0x90000048  }
0xb7: {  	_ =	sfence  }
0xb8: {  	s30 =	sld [smem:$0x0];
	_ =	sdelay $0x2  }
0xb9: {  	s31 =	sshll.u32 s1, $0xD;
	s1 =	sshrl.u32 s1, $0x2  }
0xba: {  	s3 =	sand.u32 $0x4000, s31;
	s1 =	sadd.s32 s1, s30  }
0xbb: {  	s0 =	sor.u32 s3, s0;
	s1 =	sshll.u32 s1, $0x11  }
0xbc: {  	s0 =	sor.u32 s1, s0  }
0xbd: {  	s0 =	sadd.s32 $0x8F2B, s0  }
0xbe: {  	[sflag:s0] =	ssyncadd.remote.s32 $0x1  }
0xbf: {  	_ =	sfence.sel $0xFFFF  }
0xc0: {  	[dreg:$0x0] =	wrdreg $0xFFFFFFFF;
	(pc) =	sbr.abs _section_cstart, $3  }
0xc1: {  	[dreg:$0x1] =	wrdreg $0xFFFFFFFF  }
0xc2: {  	_ =	task.clear_ibuf [dreg:s7], $0x2FFFF;
	_ =	strace $0x9FFFFFFF  }
0xc3: {  	(tm) =	ssettm $0x7FFFFFFF  }
tec
execute0_lowered:
.L_overlay_start_1:
0x0: {  	(tag) =	ssettag $0x1  }
0x1: {  	s0 =	rddreg [dreg:$0x0]  }
0x2: {  	s2 =	rddreg [dreg:$0x1]  }
0x3: {  	s3 =	srdreg.scid;
	s11 =	stileid.u32  }
0x4: {  	s1 =	simm.s32 $0x0;
	s3 =	sand.u32 $0x1, s3;
	s5 =	smul.u32 $0x18800, s11  }
0x5: {  	[smem:$0x7FF] =	sst s1;
	s6 =	sadd.s32 $0x94600, s0;
	s8 =	smul.u32 $0x30F00, s11  }
0x6: {  	s9 =	sadd.s32 $0x32600, s0;
	s11 =	smul.u32 $0x61E0, s11;
	s4 =	ssub.s32 $0x2, s3  }
0x7: {  	s13 =	smul.u32 $0x188000, s3;
	p0 =	seq.s32 s3, $0x0;
	s7 =	sshrl.u32 s4, $0x1  }
0x8: {  	s10 =	sadd.s32 $0xC000, s5;
	s8 =	sshrl.u32 s8, $0x3;
	s12 =	sadd.s32 $0x12000, s5  }
0x9: {  	s16 =	sadd.s32 s6, s11;
	s18 =	sadd.s32 s9, s11;
	s30 =	sadd.s32 $0x18000, s5  }
0xa: {  	s4 =	ssub.s32 s4, s7;
	s7 =	sadd.s32 $0x6000, s5;
	s8 =	sadd.s32 $0x60, s8  }
0xb: {  	s11 =	sadd.s32 s5, s13;
	s22 =	sadd.s32 s13, s10;
	s25 =	sadd.s32 s13, s12  }
0xc: {  	s6 =	sadd.s32 s6, s8;
	s9 =	sadd.s32 s9, s8;
	s8 =	sadd.s32 $0x3000, s5  }
0xd: {  	s14 =	sshrl.u32 s11, $0x3;
	s19 =	sadd.s32 s13, s7;
	s11 =	sadd.s32 $0xF000, s5  }
0xe: {  	s26 =	sshrl.u32 s25, $0x3;
	s4 =	smax.u32 s4, $0x1;
	[dreg:$0x6] =	wrdreg s6  }
0xf: {  	[dreg:$0x7] =	wrdreg s9;
	s15 =	sadd.s32 s13, s8;
	s3 =	sadd.s32 s2, s14  }
0x10: {  	s20 =	sshrl.u32 s19, $0x3;
	s6 =	sadd.s32 $0x9000, s5;
	s17 =	sshrl.u32 s15, $0x3  }
0x11: {  	s9 =	sshrl.u32 s22, $0x3;
	[dreg:$0x8] =	wrdreg s3;
	s3 =	sadd.s32 s2, s17  }
0x12: {  	s21 =	sadd.s32 s13, s6;
	[dreg:$0x9] =	wrdreg s3;
	s3 =	sadd.s32 s2, s20  }
0x13: {  	s24 =	sadd.s32 s13, s11;
	[dreg:$0xa] =	wrdreg s3;
	s3 =	sshrl.u32 s21, $0x3  }
0x14: {  	s14 =	sadd.s32 $0x15000, s5;
	s15 =	rddreg [dreg:$0x2];
	s3 =	sadd.s32 s2, s3  }
0x15: {  	s23 =	sadd.s32 s2, s9;
	[dreg:$0xb] =	wrdreg s3;
	s3 =	sshrl.u32 s24, $0x3  }
0x16: {  	s28 =	sadd.s32 s13, s14;
	[dreg:$0xc] =	wrdreg s23;
	s3 =	sadd.s32 s2, s3  }
0x17: {  	s29 =	sshrl.u32 s28, $0x3;
	[dreg:$0xd] =	wrdreg s3;
	s3 =	sadd.s32 s2, s26  }
0x18: {  	s20 =	sadd.s32 s13, s30;
	[dreg:$0xe] =	wrdreg s3;
	s3 =	sadd.s32 s2, s29  }
0x19: {  	s13 =	simm.s32 $0x1B9000;
	[dreg:$0xf] =	wrdreg s3;
	s3 =	sshrl.u32 s20, $0x3  }
0x1a: {  	s22 =	sadd.s32 s6, s15;
	s13 =	simm.s32 @!p0 $0x1800;
	s2 =	sadd.s32 s2, s3  }
0x1b: {  	s21 =	sadd.s32 s8, s15;
	s17 =	sadd.s32 s13, s0;
	[dreg:$0x10] =	wrdreg s2  }
0x1c: {  	s0 =	sshrl.u32 s21, $0x3;
	_ =	strace $0x80000047;
	[dreg:$0x15] =	wrdreg s4  }
0x1d: {  	s23 =	sadd.s32 s11, s15;
	s25 =	sshrl.u32 s22, $0x3;
	[dreg:$0x16] =	wrdreg s0  }
0x1e: {  	s24 =	sadd.s32 s14, s15;
	s26 =	sshrl.u32 s23, $0x3;
	[dreg:$0x17] =	wrdreg s25  }
0x1f: {  	s28 =	sshrl.u32 s24, $0x3;
	[dreg:$0x18] =	wrdreg s26  }
0x20: {  	[dreg:$0x19] =	wrdreg s28  }
0x21: {  	s29 =	sadd.s32 $0xC0, s18;
	[dreg:$0x5] =	wrdreg s18  }
0x22: {  	[dreg:$0x1a] =	wrdreg s29  }
0x23: {  	s9 =	sadd.s32 s30, s15;
	s30 =	sadd.s32 $0xC0, s16;
	[dreg:$0x4] =	wrdreg s16  }
0x24: {  	s31 =	simm.s32 $0x1200;
	s19 =	sadd.s32 s7, s15;
	[dreg:$0x1b] =	wrdreg s30  }
0x25: {  	s10 =	sadd.s32 s10, s15;
	s12 =	sadd.s32 s12, s15;
	[dreg:$0x11] =	wrdreg s19  }
0x26: {  	s7 =	simm.s32 $0x0;
	s13 =	sadd.s32 s5, s15;
	[dreg:$0x12] =	wrdreg s10  }
0x27: {  	s5 =	simm.s32 $0x2;
	s14 =	simm.s32 $0x4;
	[dreg:$0x13] =	wrdreg s12  }
0x28: {  	v0 =	vimm.f32 $0.0e+00;
	s0 =	simm.s32 $0x80;
	s4 =	simm.s32 $0x1;
	[dreg:$0x14] =	wrdreg s9  }
.LBB2_1:
0x29: {  	s2 =	simm.s32 $0x40;
	s3 =	simm.s32 $0x0  }
.LBB2_2:
0x2a: {  	p0 =	sne.s32 s2, $0x17FC0;
	[tilespmem:s3+$0x1200] =	vst v0;
	s3 =	smov.u32 s2;
	s2 =	sadd.s32 $0x40, s2  }
.Ltmp0:
0x2b: {  	(pc) =	sbr.rel @p0 .LBB2_2-.Ltmp0, $2  }
0x2c: {  	_ =	sdelay $0x2  }
0x2d: {  	s3 =	sshra.s32 s3, $0x2  }
0x2e: {  	[tilespmem:s3+$0x1200] =	vst v0  }
0x2f: {  	[spmem:s13] =	stream.linear.scatter [tilespmem:s31], [sflag:$0x4], $0x6000, $0x38;
	[tilespmem:$0x1FA00] =	vst v63  }
0x30: {  	_ =	swait.ge [sflag:s14], $0x6000  }
0x31: {  	[sflag:s14] =	ssyncset.done $0x0  }
0x32: {  	[sflag:s14] =	ssyncadd.s32 $0xFFFFA000  }
0x33: {  	[spmem:s19] =	stream.linear.scatter [tilespmem:s31], [sflag:$0x4], $0x6000, $0x38;
	[tilespmem:$0x1FA00] =	vst v63  }
0x34: {  	_ =	swait.ge [sflag:s14], $0x6000  }
0x35: {  	[sflag:s14] =	ssyncset.done $0x0  }
0x36: {  	[sflag:s14] =	ssyncadd.s32 $0xFFFFA000  }
0x37: {  	[spmem:s10] =	stream.linear.scatter [tilespmem:s31], [sflag:$0x4], $0x6000, $0x38;
	[tilespmem:$0x1FA00] =	vst v63  }
0x38: {  	_ =	swait.ge [sflag:s14], $0x6000  }
0x39: {  	[sflag:s14] =	ssyncset.done $0x0  }
0x3a: {  	[sflag:s14] =	ssyncadd.s32 $0xFFFFA000  }
0x3b: {  	[spmem:s12] =	stream.linear.scatter [tilespmem:s31], [sflag:$0x4], $0x6000, $0x38;
	[tilespmem:$0x1FA00] =	vst v63  }
0x3c: {  	_ =	swait.ge [sflag:s14], $0x6000  }
0x3d: {  	[sflag:s14] =	ssyncset.done $0x0  }
0x3e: {  	[sflag:s14] =	ssyncadd.s32 $0xFFFFA000  }
0x3f: {  	[spmem:s9] =	stream.linear.scatter [tilespmem:s31], [sflag:$0x4], $0x800, $0x38;
	[tilespmem:$0x1FA00] =	vst v63  }
0x40: {  	_ =	swait.ge [sflag:s14], $0x800  }
0x41: {  	[sflag:s14] =	ssyncset.done $0x0  }
0x42: {  	[sflag:s14] =	ssyncadd.s32 $0xFFFFF800  }
0x43: {  	[bflag:$0x0] =	sbarrier.arrive $0xFFFF  }
0x44: {  	s2 =	rddreg [dreg:$0x4]  }
0x45: {  	[tilespmem:s1], [sflag:$0x4] =	stream.linear.gather [hbm4b:s2+s1], $0x300, $0x38;
	[tilespmem:$0x1FA00] =	vst v63  }
0x46: {  	_ =	swait.ge [sflag:s14], $0x300  }
0x47: {  	[sflag:s14] =	ssyncset.done $0x0  }
0x48: {  	s8 =	simm.s32 $0x300;
	s6 =	rddreg [dreg:$0x5];
	[sflag:s14] =	ssyncadd.s32 $0xFFFFFD00  }
0x49: {  	[tilespmem:s8], [sflag:$0x4] =	stream.linear.gather [hbm4b:s6+s1], $0x300, $0x38;
	[tilespmem:$0x1FA00] =	vst v63  }
0x4a: {  	s30 =	smov.u32 s13;
	_ =	swait.ge [sflag:s14], $0x300  }
0x4b: {  	s16 =	simm.s32 $0x100;
	s18 =	simm.s32 $0x2200;
	[sflag:s14] =	ssyncset.done $0x0  }
0x4c: {  	s10 =	simm.s32 $0x600;
	s9 =	rddreg [dreg:$0x6];
	[sflag:s14] =	ssyncadd.s32 $0xFFFFFD00  }
0x4d: {  	[tilespmem:s10], [sflag:$0x1] =	stream.linear.gather [hbm4b:s9+s1], $0x300, $0x38;
	[tilespmem:$0x1FA00] =	vst v63  }
0x4e: {  	s20 =	simm.s32 $0x2A00;
	s12 =	simm.s32 $0x900;
	s11 =	rddreg [dreg:$0x7]  }
0x4f: {  	[tilespmem:s12], [sflag:$0x1] =	stream.linear.gather [hbm4b:s11+s1], $0x300, $0x38;
	[tilespmem:$0x1FA00] =	vst v63  }
0x50: {  	s21 =	simm.s32 $0x200;
	s22 =	simm.s32 $0x3200;
	s23 =	simm.s32 $0x2  }
0x51: {  	[tilespmem:s31], [sflag:$0x2] =	stream.indirect.gather [hbm4b:s17+s0], $0x10, s1, s0, $0xb8;
	[tilespmem:$0x1FA00] =	vst v63  }
0x52: {  	s24 =	simm.s32 $0x280;
	s13 =	simm.s32 $0x1A00;
	s2 =	smul.u32 $0xAAAB, s23  }
0x53: {  	[tilespmem:s13], [sflag:$0x2] =	stream.indirect.gather [hbm4b:s17+s0], $0x10, s0, s0, $0xb8;
	[tilespmem:$0x1FA00] =	vst v63  }
0x54: {  	p0 =	por $0x0, $0x0;
	s28 =	simm.s32 $0x0;
	s25 =	sadd.s32 $0xFFFF5555, s2  }
0x55: {  	[tilespmem:s18], [sflag:$0x2] =	stream.indirect.gather [hbm4b:s17+s0], $0x10, s16, s0, $0xb8;
	[tilespmem:$0x1FA00] =	vst v63  }
0x56: {  	p1 =	por $0x1, $0x1;
	s19 =	simm.s32 $0x180;
	s3 =	sshrl.u32 s25, $0x11  }
0x57: {  	[tilespmem:s20], [sflag:$0x2] =	stream.indirect.gather [hbm4b:s17+s0], $0x10, s19, s0, $0xb8;
	[tilespmem:$0x1FA00] =	vst v63  }
0x58: {  	s8 =	sshrl.u32 s2, $0x11;
	s2 =	sadd.s32 $0xFFFEAAAA, s2;
	s3 =	smul.u32 $0x3, s3  }
0x59: {  	[tilespmem:s22], [sflag:$0x2] =	stream.indirect.gather [hbm4b:s17+s0], $0x10, s21, s0, $0xb8;
	[tilespmem:$0x1FA00] =	vst v63  }
0x5a: {  	s6 =	simm.s32 $0x3A00;
	s8 =	smul.u32 $0x3, s8;
	s26 =	sshrl.u32 s2, $0x11  }
0x5b: {  	[tilespmem:s6], [sflag:$0x2] =	stream.indirect.gather [hbm4b:s17+s0], $0x10, s24, s0, $0xb8;
	[tilespmem:$0x1FA00] =	vst v63  }
0x5c: {  	s2 =	simm.s32 $0x3;
	s3 =	sxor.u32 $0xFFFFFFFF, s3;
	_ =	swait.ge [sflag:s4], $0x300  }
0x5d: {  	s8 =	ssub.s32 $0x2, s8;
	s9 =	smul.u32 $0x3, s26;
	[sflag:s4] =	ssyncset.done $0x0  }
0x5e: {  	s3 =	sadd.s32 $0x2, s3;
	s8 =	smul.u32 $0x600, s8;
	[sflag:s4] =	ssyncadd.s32 $0xFFFFFD00  }
0x5f: {  	s10 =	sand.u32 $0x1, s28;
	s3 =	smul.u32 @!p0 $0x1800, s3;
	_ =	swait.ge [sflag:s4], $0x300  }
0x60: {  	p2 =	seq.s32 s10, $0x1;
	s10 =	simm.s32 $0x300;
	[sflag:s4] =	ssyncset.done $0x0  }
0x61: {  	s12 =	simm.s32 @!p0 $0x80;
	s11 =	simm.s32 @!p1 $0x3;
	[sflag:s4] =	ssyncadd.s32 $0xFFFFFD00  }
0x62: {  	s8 =	sand.u32 $0xFE00, s8;
	s10 =	simm.s32 @!p2 $0x0;
	_ =	swait.ge @!p1 [sflag:s11], $0x3000  }
0x63: {  	s3 =	sand.u32 @!p0 $0xF800, s3;
	s9 =	ssub.s32 $0x0, s9;
	[sflag:s11] =	ssyncset.done @!p1 $0x0  }
0x64: {  	s3 =	sshrl.u32 @!p0 s3, $0x2;
	s18 =	rddreg [dreg:$0x1b];
	[sflag:s11] =	ssyncadd.s32 @!p1 $0xFFFFD000  }
0x65: {  	[tilespmem:s8], [sflag:$0x1] =	stream.linear.gather [hbm4b:s18+s1], $0x300, $0x38;
	[tilespmem:$0x1FA00] =	vst v63  }
0x66: {  	s29 =	rddreg [dreg:$0x1a];
	s11 =	sshll.u32 @!p0 s10, $0x6;
	s8 =	sadd.s32 $0x300, s8  }
0x67: {  	[tilespmem:s8], [sflag:$0x1] =	stream.linear.gather [hbm4b:s29+s1], $0x300, $0x38;
	[tilespmem:$0x1FA00] =	vst v63  }
0x68: {  	s9 =	smul.u32 $0x600, s9;
	s11 =	ssub.s32 @!p0 $0xC000, s11;
	_ =	swait.ge [sflag:s5], $0x3000  }
0x69: {  	s13 =	sor.u32 @!p0 $0x80, s3;
	s11 =	sshrl.u32 @!p0 s11, $0x2;
	[sflag:s5] =	ssyncset.done $0x0  }
0x6a: {  	s8 =	sshll.u32 @!p0 s10, $0x4;
	s11 =	sadd.s32 @!p0 $0x1200, s11;
	[sflag:s5] =	ssyncadd.s32 $0xFFFFD000  }
0x6b: {  	[tilespmem:s11], [sflag:$0x2] =	stream.indirect.gather @!p0 [hbm4b:s17+s12], $0x10, s3, s12, $0xb8;
	[tilespmem:$0x1FA00] =	vst v63  }
0x6c: {  	s16 =	sor.u32 @!p0 $0x180, s3;
	s10 =	sshll.u32 s10, $0x4;
	s11 =	ssub.s32 @!p0 $0x4A00, s8  }
0x6d: {  	[tilespmem:s11], [sflag:$0x2] =	stream.indirect.gather @!p0 [hbm4b:s17+s12], $0x10, s13, s12, $0xb8;
	[tilespmem:$0x1FA00] =	vst v63  }
0x6e: {  	s23 =	ssub.s32 @!p0 $0x6200, s8;
	s11 =	sor.u32 @!p0 $0x100, s3;
	s13 =	ssub.s32 @!p0 $0x5200, s8  }
0x6f: {  	[tilespmem:s13], [sflag:$0x2] =	stream.indirect.gather @!p0 [hbm4b:s17+s12], $0x10, s11, s12, $0xb8;
	[tilespmem:$0x1FA00] =	vst v63  }
0x70: {  	s11 =	ssub.s32 @!p0 $0x5A00, s8;
	s13 =	sadd.s32 @!p0 $0x200, s3;
	s3 =	sadd.s32 @!p0 $0x280, s3  }
0x71: {  	[tilespmem:s11], [sflag:$0x2] =	stream.indirect.gather @!p0 [hbm4b:s17+s12], $0x10, s16, s12, $0xb8;
	[tilespmem:$0x1FA00] =	vst v63  }
0x72: {  	s8 =	ssub.s32 @!p0 $0x6A00, s8;
	s11 =	sand.u32 $0xFE00, s9;
	s16 =	sadd.s32 $0x2A00, s10  }
0x73: {  	[tilespmem:s23], [sflag:$0x2] =	stream.indirect.gather @!p0 [hbm4b:s17+s12], $0x10, s13, s12, $0xb8;
	[tilespmem:$0x1FA00] =	vst v63  }
0x74: {  	s24 =	sadd.s32 $0x300, s11;
	s23 =	sadd.s32 $0x1200, s10;
	s13 =	sadd.s32 $0x500, s11  }
0x75: {  	[tilespmem:s8], [sflag:$0x2] =	stream.indirect.gather @!p0 [hbm4b:s17+s12], $0x10, s3, s12, $0xb8;
	[tilespmem:$0x1FA00] =	vst v63  }
0x76: {  	s3 =	sadd.s32 $0x60, s29;
	s8 =	sadd.s32 $0x60, s18;
	s12 =	sadd.s32 $0x3200, s10  }
.LBB2_4:
0x77: {  	s9 =	sadd.s32 $0x2200, s10;
	s25 =	sadd.s32 $0x400, s11  }
0x78: {  	s26 =	sadd.s32 $0x480, s11;
	s28 =	smov.u32 s2;
	s6 =	sadd.s32 $0x380, s11  }
0x79: {  	[spmem:s15] =	stream.indirect.scatter.add.f32 [tilespmem:s23], [sflag:$0x3], $0x10, s24, s0, $0xb8;
	[tilespmem:$0x1FA00] =	vst v63  }
0x7a: {  	p0 =	seq.s32 s2, $0x106;
	s23 =	smul.u32 $0xAAAB, s2;
	s24 =	sadd.s32 $0x1A00, s10  }
0x7b: {  	[spmem:s15] =	stream.indirect.scatter.add.f32 [tilespmem:s24], [sflag:$0x3], $0x10, s6, s0, $0xb8;
	[tilespmem:$0x1FA00] =	vst v63  }
0x7c: {  	s6 =	sadd.s32 $0xFFFF5555, s23;
	s24 =	sshrl.u32 s23, $0x11;
	s23 =	sadd.s32 $0xFFFEAAAA, s23  }
0x7d: {  	[spmem:s15] =	stream.indirect.scatter.add.f32 [tilespmem:s9], [sflag:$0x3], $0x10, s25, s0, $0xb8;
	[tilespmem:$0x1FA00] =	vst v63  }
0x7e: {  	s6 =	sshrl.u32 s6, $0x11;
	s23 =	sshrl.u32 s23, $0x11;
	s9 =	smul.u32 $0x3, s24  }
0x7f: {  	[spmem:s15] =	stream.indirect.scatter.add.f32 [tilespmem:s16], [sflag:$0x3], $0x10, s26, s0, $0xb8;
	[tilespmem:$0x1FA00] =	vst v63  }
0x80: {  	s11 =	sadd.s32 $0x580, s11;
	s6 =	smul.u32 $0x3, s6;
	s16 =	ssub.s32 s2, s9  }
0x81: {  	[spmem:s15] =	stream.indirect.scatter.add.f32 [tilespmem:s12], [sflag:$0x3], $0x10, s13, s0, $0xb8;
	[tilespmem:$0x1FA00] =	vst v63  }
0x82: {  	s10 =	sadd.s32 $0x3A00, s10;
	s9 =	simm.s32 @!p0 $0x80;
	s2 =	sadd.s32 $0x1, s2  }
0x83: {  	p1 =	seq.s32 s28, $0x2;
	s6 =	sxor.u32 $0xFFFFFFFF, s6;
	s12 =	smul.u32 $0x3, s23  }
0x84: {  	s6 =	sadd.s32 s28, s6;
	s16 =	smul.u32 $0x600, s16;
	s13 =	sadd.s32 $0xFFFFFFFE, s28  }
0x85: {  	[spmem:s15] =	stream.indirect.scatter.add.f32 [tilespmem:s10], [sflag:$0x3], $0x10, s11, s0, $0xb8;
	[tilespmem:$0x1FA00] =	vst v63  }
0x86: {  	s6 =	smul.u32 @!p0 $0x1800, s6;
	s10 =	sand.u32 $0x1, s13;
	_ =	swait.ge [sflag:s4], $0x300  }
0x87: {  	s11 =	sand.u32 $0xFE00, s16;
	s16 =	simm.s32 $0x300;
	[sflag:s4] =	ssyncset.done $0x0  }
0x88: {  	p2 =	seq.s32 s10, $0x1;
	s10 =	simm.s32 @!p1 $0x3;
	[sflag:s4] =	ssyncadd.s32 $0xFFFFFD00  }
0x89: {  	s12 =	ssub.s32 s13, s12;
	s16 =	simm.s32 @!p2 $0x0;
	_ =	swait.ge [sflag:s4], $0x300  }
0x8a: {  	s13 =	sshll.u32 @!p0 s16, $0x6;
	s23 =	sshll.u32 @!p0 s16, $0x4;
	[sflag:s4] =	ssyncset.done $0x0  }
0x8b: {  	s13 =	ssub.s32 @!p0 $0xC000, s13;
	s24 =	ssub.s32 @!p0 $0x4A00, s23;
	[sflag:s4] =	ssyncadd.s32 $0xFFFFFD00  }
0x8c: {  	s6 =	sand.u32 @!p0 $0xF800, s6;
	s13 =	sshrl.u32 @!p0 s13, $0x2;
	_ =	swait.ge @!p1 [sflag:s10], $0x3000  }
0x8d: {  	s6 =	sshrl.u32 @!p0 s6, $0x2;
	s13 =	sadd.s32 @!p0 $0x1200, s13;
	[sflag:s10] =	ssyncset.done @!p1 $0x0  }
0x8e: {  	s25 =	sor.u32 @!p0 $0x80, s6;
	s26 =	sor.u32 @!p0 $0x100, s6;
	[sflag:s10] =	ssyncadd.s32 @!p1 $0xFFFFD000  }
0x8f: {  	[tilespmem:s11], [sflag:$0x1] =	stream.linear.gather [hbm4b:s8+s1], $0x300, $0x38;
	[tilespmem:$0x1FA00] =	vst v63  }
0x90: {  	s18 =	sor.u32 @!p0 $0x180, s6;
	s28 =	ssub.s32 @!p0 $0x5200, s23;
	s10 =	sadd.s32 $0x300, s11  }
0x91: {  	[tilespmem:s10], [sflag:$0x1] =	stream.linear.gather [hbm4b:s3+s1], $0x300, $0x38;
	[tilespmem:$0x1FA00] =	vst v63  }
0x92: {  	s20 =	sadd.s32 @!p0 $0x200, s6;
	s19 =	ssub.s32 @!p0 $0x5A00, s23;
	_ =	swait.ge [sflag:s5], $0x3000  }
0x93: {  	s22 =	sadd.s32 @!p0 $0x280, s6;
	s21 =	ssub.s32 @!p0 $0x6200, s23;
	[sflag:s5] =	ssyncset.done $0x0  }
0x94: {  	s29 =	ssub.s32 @!p0 $0x6A00, s23;
	s10 =	sshll.u32 s16, $0x4;
	[sflag:s5] =	ssyncadd.s32 $0xFFFFD000  }
0x95: {  	[tilespmem:s13], [sflag:$0x2] =	stream.indirect.gather @!p0 [hbm4b:s17+s9], $0x10, s6, s9, $0xb8;
	[tilespmem:$0x1FA00] =	vst v63  }
0x96: {  	p1 =	sne.s32 s2, $0x107;
	s23 =	sadd.s32 $0x1200, s10;
	s6 =	smul.u32 $0x600, s12  }
0x97: {  	[tilespmem:s24], [sflag:$0x2] =	stream.indirect.gather @!p0 [hbm4b:s17+s9], $0x10, s25, s9, $0xb8;
	[tilespmem:$0x1FA00] =	vst v63  }
0x98: {  	s11 =	sand.u32 $0xFE00, s6  }
0x99: {  	[tilespmem:s28], [sflag:$0x2] =	stream.indirect.gather @!p0 [hbm4b:s17+s9], $0x10, s26, s9, $0xb8;
	[tilespmem:$0x1FA00] =	vst v63  }
0x9a: {  	s24 =	sadd.s32 $0x300, s11  }
0x9b: {  	[tilespmem:s19], [sflag:$0x2] =	stream.indirect.gather @!p0 [hbm4b:s17+s9], $0x10, s18, s9, $0xb8;
	[tilespmem:$0x1FA00] =	vst v63  }
.Ltmp1:
0x9c: {  	_ = 	snop;
	(pc) =	sbr.rel @p1 .LBB2_4-.Ltmp1, $4  }
0x9d: {  	s8 =	sadd.s32 $0x60, s8;
	s3 =	sadd.s32 $0x60, s3  }
0x9e: {  	[tilespmem:s21], [sflag:$0x2] =	stream.indirect.gather @!p0 [hbm4b:s17+s9], $0x10, s20, s9, $0xb8;
	[tilespmem:$0x1FA00] =	vst v63  }
0x9f: {  	s16 =	sadd.s32 $0x2A00, s10;
	s12 =	sadd.s32 $0x3200, s10;
	s13 =	sadd.s32 $0x500, s11  }
0xa0: {  	[tilespmem:s29], [sflag:$0x2] =	stream.indirect.gather @!p0 [hbm4b:s17+s9], $0x10, s22, s9, $0xb8;
	[tilespmem:$0x1FA00] =	vst v63  }
0xa1: {  	[spmem:s15] =	stream.indirect.scatter.add.f32 [tilespmem:s23], [sflag:$0x3], $0x10, s24, s0, $0xb8;
	[tilespmem:$0x1FA00] =	vst v63  }
0xa2: {  	s2 =	sadd.s32 $0x1A00, s10;
	s3 =	sadd.s32 $0x380, s11  }
0xa3: {  	[spmem:s15] =	stream.indirect.scatter.add.f32 [tilespmem:s2], [sflag:$0x3], $0x10, s3, s0, $0xb8;
	[tilespmem:$0x1FA00] =	vst v63  }
0xa4: {  	s22 =	sadd.s32 $0x2200, s10;
	s23 =	sadd.s32 $0x400, s11  }
0xa5: {  	[spmem:s15] =	stream.indirect.scatter.add.f32 [tilespmem:s22], [sflag:$0x3], $0x10, s23, s0, $0xb8;
	[tilespmem:$0x1FA00] =	vst v63  }
0xa6: {  	s24 =	sadd.s32 $0x480, s11  }
0xa7: {  	[spmem:s15] =	stream.indirect.scatter.add.f32 [tilespmem:s16], [sflag:$0x3], $0x10, s24, s0, $0xb8;
	[tilespmem:$0x1FA00] =	vst v63  }
0xa8: {  	_ = 	snop  }
0xa9: {  	[spmem:s15] =	stream.indirect.scatter.add.f32 [tilespmem:s12], [sflag:$0x3], $0x10, s13, s0, $0xb8;
	[tilespmem:$0x1FA00] =	vst v63  }
0xaa: {  	s25 =	sadd.s32 $0x3A00, s10;
	s26 =	sadd.s32 $0x580, s11;
	s28 =	simm.s32 $0x3  }
0xab: {  	[spmem:s15] =	stream.indirect.scatter.add.f32 [tilespmem:s25], [sflag:$0x3], $0x10, s26, s0, $0xb8;
	[tilespmem:$0x1FA00] =	vst v63  }
0xac: {  	_ =	swait.ge [sflag:s28], $0x3000  }
0xad: {  	[sflag:s28] =	ssyncset.done $0x0  }
0xae: {  	[sflag:s28] =	ssyncadd.s32 $0xFFFFD000  }
0xaf: {  	_ =	swait.ge [sflag:s4], $0x300  }
0xb0: {  	[sflag:s4] =	ssyncset.done $0x0  }
0xb1: {  	[sflag:s4] =	ssyncadd.s32 $0xFFFFFD00  }
0xb2: {  	_ =	swait.ge [sflag:s4], $0x300  }
0xb3: {  	s29 =	stileid.u32;
	[sflag:s4] =	ssyncset.done $0x0  }
0xb4: {  	s2 =	sshll.u32 s29, $0x6;
	[sflag:s4] =	ssyncadd.s32 $0xFFFFFD00  }
0xb5: {  	s2 =	sor.u32 $0x1C04, s2;
	[bflag:$0x0] =	sbarrier.arrive $0xFFFF  }
0xb6: {  	s13 =	smov.u32 s30;
	s30 =	sshrl.u32 s30, $0x3;
	s6 =	rddreg [dreg:$0x8]  }
0xb7: {  	[hbm:s6], [sflag:s2] =	dma.local [spmem:s30], $0x600  }
0xb8: {  	_ =	swait.ge [sflag:s14], $0x600  }
0xb9: {  	[sflag:s14] =	ssyncset.done $0x0;
	s8 =	rddreg [dreg:$0x9]  }
0xba: {  	s9 =	rddreg [dreg:$0x16];
	[sflag:s14] =	ssyncadd.s32 $0xFFFFFA00  }
0xbb: {  	[hbm:s8], [sflag:s2] =	dma.local [spmem:s9], $0x600  }
0xbc: {  	_ =	swait.ge [sflag:s14], $0x600  }
0xbd: {  	[sflag:s14] =	ssyncset.done $0x0;
	s19 =	rddreg [dreg:$0x11]  }
0xbe: {  	s11 =	rddreg [dreg:$0xa];
	[sflag:s14] =	ssyncadd.s32 $0xFFFFFA00;
	s10 =	sshrl.u32 s19, $0x3  }
0xbf: {  	[hbm:s11], [sflag:s2] =	dma.local [spmem:s10], $0x600  }
0xc0: {  	_ =	swait.ge [sflag:s14], $0x600  }
0xc1: {  	[sflag:s14] =	ssyncset.done $0x0;
	s12 =	rddreg [dreg:$0xb]  }
0xc2: {  	s16 =	rddreg [dreg:$0x17];
	[sflag:s14] =	ssyncadd.s32 $0xFFFFFA00  }
0xc3: {  	[hbm:s12], [sflag:s2] =	dma.local [spmem:s16], $0x600  }
0xc4: {  	_ =	swait.ge [sflag:s14], $0x600  }
0xc5: {  	[sflag:s14] =	ssyncset.done $0x0;
	s10 =	rddreg [dreg:$0x12]  }
0xc6: {  	s20 =	rddreg [dreg:$0xc];
	[sflag:s14] =	ssyncadd.s32 $0xFFFFFA00;
	s18 =	sshrl.u32 s10, $0x3  }
0xc7: {  	[hbm:s20], [sflag:s2] =	dma.local [spmem:s18], $0x600  }
0xc8: {  	_ =	swait.ge [sflag:s14], $0x600  }
0xc9: {  	[sflag:s14] =	ssyncset.done $0x0;
	s21 =	rddreg [dreg:$0xd]  }
0xca: {  	s22 =	rddreg [dreg:$0x18];
	[sflag:s14] =	ssyncadd.s32 $0xFFFFFA00  }
0xcb: {  	[hbm:s21], [sflag:s2] =	dma.local [spmem:s22], $0x600  }
0xcc: {  	_ =	swait.ge [sflag:s14], $0x600  }
0xcd: {  	[sflag:s14] =	ssyncset.done $0x0;
	s12 =	rddreg [dreg:$0x13]  }
0xce: {  	s24 =	rddreg [dreg:$0xe];
	[sflag:s14] =	ssyncadd.s32 $0xFFFFFA00;
	s23 =	sshrl.u32 s12, $0x3  }
0xcf: {  	[hbm:s24], [sflag:s2] =	dma.local [spmem:s23], $0x600  }
0xd0: {  	_ =	swait.ge [sflag:s14], $0x600  }
0xd1: {  	[sflag:s14] =	ssyncset.done $0x0;
	s25 =	rddreg [dreg:$0xf]  }
0xd2: {  	s26 =	rddreg [dreg:$0x19];
	[sflag:s14] =	ssyncadd.s32 $0xFFFFFA00  }
0xd3: {  	[hbm:s25], [sflag:s2] =	dma.local [spmem:s26], $0x600  }
0xd4: {  	_ =	swait.ge [sflag:s14], $0x600  }
0xd5: {  	[sflag:s14] =	ssyncset.done $0x0;
	s9 =	rddreg [dreg:$0x14]  }
0xd6: {  	s29 =	rddreg [dreg:$0x10];
	[sflag:s14] =	ssyncadd.s32 $0xFFFFFA00;
	s28 =	sshrl.u32 s9, $0x3  }
0xd7: {  	[hbm:s29], [sflag:s2] =	dma.local [spmem:s28], $0x100  }
0xd8: {  	_ =	swait.ge [sflag:s14], $0x100  }
0xd9: {  	s7 =	sadd.s32 $0x1, s7;
	s30 =	rddreg [dreg:$0x15]  }
0xda: {  	p0 =	sne.s32 s7, s30  }
.Ltmp2:
0xdb: {  	_ = 	snop;
	(pc) =	sbr.rel @p0 .LBB2_1-.Ltmp2, $3  }
0xdc: {  	_ =	sdelay $0x1  }
0xdd: {  	[sflag:s14] =	ssyncset.done $0x0  }
0xde: {  	[sflag:s14] =	ssyncadd.s32 $0xFFFFFF00  }
0xdf: {  	_ =	sfence.sel $0x180000  }
0xe0: {  	[bflag:$0x0] =	sbarrier.arrive $0xFFFF  }
0xe1: {  	_ =	strace $0x90000047  }
0xe2: {  	s0 =	stileid.u32;
	[bflag:$0x2] =	sbarrier.arrive $0xFFFF  }
0xe3: {  	p0 =	sne.s32 s0, $0x0;
	s0 =	rddreg [dreg:$0x3]  }
0xe4: {  	s0 =	sadd.s32 @!p0 $0x100000, s0  }
0xe5: {  	[sflag:s0] =	ssyncadd.tile.s32 @!p0 $0x1;
	_ =	shalt  }
.Lfunc_end2:
_tile_overlayer_lowered:
.L_overlay_start_2:
0xe6: {  	(tag) =	ssettag $0x2  }
0xe7: {  	s0 =	rddreg [dreg:$0x0];
	s2 =	stileid.u32  }
0xe8: {  	s1 =	rddreg [dreg:$0x1];
	p0 =	sne.s32 s2, $0x0  }
0xe9: {  	s3 =	rddreg [dreg:$0x2];
	[bflag:$0x3] =	sbarrier.arrive $0xFFFF;
	s2 =	simm.s32 @!p0 $0x1C04  }
0xea: {  	[timem:s3], [sflag:s2] =	dma.local @!p0 [hbm:s0], s1  }
0xeb: {  	s0 =	simm.s32 @!p0 $0x4  }
0xec: {  	_ =	swait.ge @!p0 [sflag:s0], s1  }
0xed: {  	s1 =	ssub.s32 @!p0 $0x0, s1;
	[sflag:s0] =	ssyncset.done @!p0 $0x0  }
0xee: {  	[sflag:s0] =	ssyncadd.s32 @!p0 s1  }
0xef: {  	[bflag:$0x3] =	sbarrier.arrive $0xFFFF  }
0xf0: {  	_ =	shalt  }

</sc_bundles>
